<compile_context>
chip_gen: v7x
topology: tpu7x:2x2x1
jax: 0.10.2.dev20260603
libtpu: 0.0.44.dev20260713+nightly
codegen_flags: <defaults>
</compile_context>

<pallas_src>
import functools

import numpy as np
import jax
import jax.numpy as jnp
from jax import lax
from jax.experimental import pallas as pl
from jax.experimental.pallas import tpu as pltpu
from jax.experimental.pallas import tpu_sc as plsc

_PRIMES = [49999, 49993, 49991, 49957, 49943, 49939, 49937, 49927]
_H = len(_PRIMES)
_HC = 4
_HID = 1024
_DH = 128
_KSZ = 4
_DIL = 3
_EPS_G = float(np.finfo(np.float32).eps)
_EPS_C = 1e-5
_OFFSETS = np.concatenate(
    [[0], np.cumsum(np.asarray(_PRIMES[:-1], dtype=np.int64))]
).astype(np.int32)

_NW = 32
_CHUNK = 128


def _sc_gather(table, idx, n_tokens):
    nw, nchunks, c = idx.shape
    mesh = plsc.VectorSubcoreMesh(core_axis_name="c", subcore_axis_name="s")

    @functools.partial(
        pl.kernel,
        out_type=jax.ShapeDtypeStruct((n_tokens, _H * _DH), jnp.float32),
        mesh=mesh,
        scratch_types=[
            pltpu.VMEM((nchunks, c), jnp.int32),
            pltpu.VMEM((c, _DH), jnp.float32),
            pltpu.VMEM((c, _DH), jnp.float32),
            pltpu.SemaphoreType.DMA,
            pltpu.SemaphoreType.DMA,
        ],
    )
    def gather_kernel(table_hbm, idx_hbm, out_hbm, idx_v, buf0, buf1, sem0, sem1):
        wid = lax.axis_index("s") * 2 + lax.axis_index("c")
        pltpu.sync_copy(idx_hbm.at[wid], idx_v)

        bufs = (buf0, buf1)
        sems = (sem0, sem1)
        pltpu.async_copy(table_hbm.at[idx_v.at[0]], buf0, sem0)

        def step(j, _):
            g = wid * nchunks + j
            tb = g // _H
            h = g % _H

            def even_odd(parity):
                buf, sem = bufs[parity], sems[parity]
                nbuf, nsem = bufs[1 - parity], sems[1 - parity]

                @pl.when(j + 1 < nchunks)
                def _():
                    pltpu.async_copy(table_hbm.at[idx_v.at[j + 1]], nbuf, nsem)

                pltpu.make_async_copy(table_hbm.at[idx_v.at[j]], buf, sem).wait()
                pltpu.sync_copy(
                    buf,
                    out_hbm.at[pl.ds(tb * c, c), pl.ds(h * _DH, _DH)],
                )

            @pl.when(j % 2 == 0)
            def _():
                even_odd(0)

            @pl.when(j % 2 == 1)
            def _():
                even_odd(1)

            return 0

        lax.fori_loop(0, nchunks, step, 0)

    return gather_kernel(table, idx)


def _dense(emb, hid, wcat, wg, norms_w, convw):
    n = emb.shape[0]
    t = 256
    grid = n // t
    cpb = 2048 // t
    halo = 16

    def body(emb_ref, hid_hbm, w_ref, pmat_ref, wg_ref, nw_ref, cw_ref,
             out_hbm, tail_ref, hid_buf, out_buf, hsem, osem):
        i = pl.program_id(0)
        slot = i % 2
        seq_start = (i % cpb) == 0

        def hid_cp(blk, sl, m):
            return pltpu.make_async_copy(
                hid_hbm.at[pl.ds(blk * t, t), m],
                hid_buf.at[sl, m], hsem.at[sl])

        def out_cp(blk, sl, m):
            return pltpu.make_async_copy(
                out_buf.at[sl, m],
                out_hbm.at[pl.ds(blk * t, t), m], osem.at[sl])

        @pl.when(i == 0)
        def _():
            for m in range(_HC):
                hid_cp(0, 0, m).start()

        @pl.when(i + 1 < grid)
        def _():
            for m in range(_HC):
                hid_cp(i + 1, (i + 1) % 2, m).start()

        for m in range(_HC):
            hid_cp(i, slot, m).wait()

        @pl.when(i >= 2)
        def _():
            for m in range(_HC):
                out_cp(i - 2, slot, m).wait()

        eb = emb_ref[...].astype(jnp.bfloat16)
        p = lax.dot_general(eb, w_ref[...],
                            (((1,), (1,)), ((), ())),
                            preferred_element_type=jnp.float32)
        value = p[:, :_HID]
        mv = jnp.mean(value * value, axis=-1, keepdims=True)
        for m in range(_HC):
            k = p[:, _HID * (m + 1):_HID * (m + 2)]
            q = hid_buf[slot, m]
            rsk = lax.rsqrt(jnp.mean(k * k, axis=-1, keepdims=True) + _EPS_G)
            rsq = lax.rsqrt(jnp.mean(q * q, axis=-1, keepdims=True) + _EPS_G)
            kq = jnp.sum(k * q * wg_ref[m][None, :], axis=-1, keepdims=True)
            g = kq * rsk * rsq * (1.0 / np.sqrt(float(_HID)))
            g = jnp.sqrt(jnp.clip(jnp.abs(g), 1e-6, None)) * jnp.sign(g)
            gate = jax.nn.sigmoid(g)
            gated = gate * value
            rsg = lax.rsqrt(gate * gate * mv + _EPS_C)
            xs = gated * rsg * nw_ref[m][None, :]
            prev_tail = jnp.where(seq_start, 0.0, tail_ref[m])
            xfull = jnp.concatenate(
                [prev_tail, xs], axis=0).astype(jnp.bfloat16)
            sh = lax.dot_general(pmat_ref[...], xfull,
                                 (((1,), (0,)), ((), ())),
                                 preferred_element_type=jnp.float32)
            co = jnp.zeros_like(xs)
            for kk in range(_KSZ):
                co = co + sh[t * kk:t * (kk + 1), :] \
                    * cw_ref[kk, _HID * m:_HID * (m + 1)][None, :]
            co = co * jax.nn.sigmoid(co)
            tail_ref[m] = xs[t - halo:, :]
            out_buf[slot, m] = q + co + gated

        for m in range(_HC):
            out_cp(i, slot, m).start()

        @pl.when(i == grid - 1)
        def _():
            for m in range(_HC):
                out_cp(i - 1, 1 - slot, m).wait()
            for m in range(_HC):
                out_cp(i, slot, m).wait()

    call = pl.pallas_call(
        body,
        grid=(grid,),
        in_specs=[
            pl.BlockSpec((t, _H * _DH), lambda i: (i, 0)),
            pl.BlockSpec(memory_space=pl.ANY),
            pl.BlockSpec(((1 + _HC) * _HID, _H * _DH), lambda i: (0, 0)),
            pl.BlockSpec((_KSZ * t, t + halo), lambda i: (0, 0)),
            pl.BlockSpec((_HC, _HID), lambda i: (0, 0)),
            pl.BlockSpec((_HC, _HID), lambda i: (0, 0)),
            pl.BlockSpec((_KSZ, _HC * _HID), lambda i: (0, 0)),
        ],
        out_specs=pl.BlockSpec(memory_space=pl.ANY),
        out_shape=jax.ShapeDtypeStruct((n, _HC, _HID), jnp.float32),
        scratch_shapes=[
            pltpu.VMEM((_HC, 16, _HID), jnp.float32),
            pltpu.VMEM((2, _HC, t, _HID), jnp.float32),
            pltpu.VMEM((2, _HC, t, _HID), jnp.float32),
            pltpu.SemaphoreType.DMA((2,)),
            pltpu.SemaphoreType.DMA((2,)),
        ],
    )
    pmat = np.zeros((_KSZ * t, t + halo), np.float32)
    for kk in range(_KSZ):
        off = halo - (_KSZ - 1) * _DIL + _DIL * kk
        pmat[t * kk + np.arange(t), np.arange(t) + off] = 1.0
    return call(emb, hid, wcat, jnp.asarray(pmat, jnp.bfloat16), wg,
                norms_w, convw)


def kernel(hash_indices, hidden_states, table, w_v, w_k, g_k, g_h,
           norms_w, conv_w):
    b, s, h = hash_indices.shape
    n = b * s
    idx = hash_indices.astype(jnp.int32) + jnp.asarray(_OFFSETS, jnp.int32)
    idx = (idx.reshape(n // _CHUNK, _CHUNK, _H)
           .transpose(0, 2, 1)
           .reshape(_NW, -1, _CHUNK))
    emb = _sc_gather(table, idx, n)
    hid = hidden_states.reshape(n, _HC, _HID)
    wcat = jnp.concatenate(
        [w_v, w_k.reshape(_HC * _HID, _H * _DH)], axis=0
    ).astype(jnp.bfloat16)
    convw = conv_w.reshape(_HC * _HID, _KSZ).T
    out = _dense(emb, hid, wcat, g_k * g_h, norms_w, convw)
    return out.reshape(b, s, _HC, _HID)

# --- scband reference (transcript-rebuilt; emitter-appended) ---
"""Pipeline reference for scband-engram-layer-15109694947887 (READ-ONLY COPY).

The authoritative reference and input builder live on the scoring server;
editing this copy changes nothing except your own understanding.
"""

import jax, jax.numpy as jnp
import numpy as np

PRIMES = [49999, 49993, 49991, 49957, 49943, 49939, 49937, 49927]
HC = 4
HID = 1024
DH = 128
KSZ = 4
DIL = 3
EPS_G = float(np.finfo(np.float32).eps)
EPS_C = 1e-5


def setup_inputs(seed: int = 0) -> dict:
    key = jax.random.key(seed)
    ks = jax.random.split(key, 8)
    B, S = 4, 2048
    H = len(PRIMES)
    hash_indices = jax.random.randint(ks[0], (B, S, H), 0, min(PRIMES))
    hidden_states = jax.random.normal(ks[1], (B, S, HC, HID), dtype=jnp.float32)
    total = int(sum(PRIMES))
    table = jax.random.normal(ks[2], (total, DH), dtype=jnp.float32) * 0.02
    w_v = jax.random.normal(ks[3], (HID, H * DH), dtype=jnp.float32) * 0.02
    w_k = jax.random.normal(ks[4], (HC, HID, H * DH), dtype=jnp.float32) * 0.02
    g_k = jnp.ones((HC, HID), dtype=jnp.float32)
    g_h = jnp.ones((HC, HID), dtype=jnp.float32)
    norms_w = jnp.ones((HC, HID), dtype=jnp.float32)
    conv_w = jax.random.normal(ks[5], (HC * HID, 1, KSZ), dtype=jnp.float32) * 0.02
    return {
        'hash_indices': hash_indices,
        'hidden_states': hidden_states,
        'table': table,
        'w_v': w_v,
        'w_k': w_k,
        'g_k': g_k,
        'g_h': g_h,
        'norms_w': norms_w,
        'conv_w': conv_w,
    }


def _rms(x, w, eps):
    return x * jax.lax.rsqrt(jnp.mean(x * x, axis=-1, keepdims=True) + eps) * w


def reference(hash_indices, hidden_states, table, w_v, w_k, g_k, g_h, norms_w, conv_w):
    offsets = jnp.concatenate([
        jnp.zeros((1,), dtype=jnp.int64),
        jnp.cumsum(jnp.array(PRIMES[:-1], dtype=jnp.int64)),
    ])
    idx = hash_indices.astype(jnp.int64) + offsets
    emb = jnp.take(table, idx, axis=0)  # [B, S, H, DH]
    B, S = emb.shape[0], emb.shape[1]
    embeddings = emb.reshape(B, S, -1)  # [B, S, H*DH] == engram_hidden_size
    # ContextAwareGating
    value = embeddings @ w_v.T  # [B, S, HID]
    nks, nqs = [], []
    for m in range(HC):
        key_m = embeddings @ w_k[m].T
        nks.append(_rms(key_m, g_k[m], EPS_G))
        nqs.append(_rms(hidden_states[:, :, m, :], g_h[m], EPS_G))
    nk = jnp.stack(nks, axis=2)
    nq = jnp.stack(nqs, axis=2)
    gate = jnp.sum(nk * nq, axis=-1) / jnp.sqrt(float(HID))
    gate = jnp.sqrt(jnp.clip(jnp.abs(gate), 1e-06, None)) * jnp.sign(gate)
    gate = jax.nn.sigmoid(gate)[..., None]
    gated = gate * value[:, :, None, :]  # [B, S, HC, HID]
    # ShortConv: Y = SiLU(Conv1D(RMSNorm(V))) + V
    xs = jnp.stack([_rms(gated[:, :, i, :], norms_w[i], EPS_C) for i in range(HC)], axis=2)
    xin = xs.transpose(0, 2, 3, 1).reshape(B, HC * HID, S)
    pad = (KSZ - 1) * DIL
    xp = jnp.pad(xin, ((0, 0), (0, 0), (pad, 0)))
    co = jax.lax.conv_general_dilated(
        xp, conv_w, window_strides=(1,), padding='VALID', rhs_dilation=(DIL,),
        dimension_numbers=('NCH', 'OIH', 'NCH'), feature_group_count=HC * HID)
    co = jax.nn.silu(co)
    y = co.reshape(B, HC, HID, S).transpose(0, 3, 1, 2) + gated
    # residual to transformer hidden states
    return hidden_states + y

if __name__ == "__main__":
    import jax
    _d = setup_inputs()
    print(jax.jit(kernel)(*tuple(_d.values())))

</pallas_src>

<mosaic_0001>
#map = affine_map<(d0, d1) -> (0, 0)>
#map1 = affine_map<(d0, d1) -> (0, 0, 0)>
module attributes {stable_mosaic.version = 14 : i64} {
  func.func @gather_kernel(%arg0: i32, %arg1: i32, %arg2: memref<399686x128xf32, #tpu.memory_space<hbm>>, %arg3: memref<32x16x128xi32, #tpu.memory_space<hbm>>, %arg4: memref<8192x1024xf32, #tpu.memory_space<hbm>>, %arg5: memref<16x128xi32, #tpu.memory_space<vmem>>, %arg6: memref<128x128xf32, #tpu.memory_space<vmem>>, %arg7: memref<128x128xf32, #tpu.memory_space<vmem>>, %arg8: memref<!tpu.dma_semaphore, #tpu.memory_space<semaphore_mem>>, %arg9: memref<!tpu.dma_semaphore, #tpu.memory_space<semaphore_mem>>) attributes {dimension_semantics = [#tpu.dimension_semantics<core_parallel>, #tpu.dimension_semantics<subcore_parallel>], iteration_bounds = array<i64: 2, 16>, scalar_prefetch = 0 : i64, scratch_operands = 5 : i64, tpu.core_type = #tpu.core_type<sc_vector_subcore>, window_params = [{transform_indices = #map}, {transform_indices = #map1}, {transform_indices = #map}]} {
    %mul3A = arith.constant 2 : i32
    %mul3A_0 = arith.muli %arg1, %mul3A : i32
    %add3A = arith.addi %mul3A_0, %arg0 : i32
    "tpu.region"() ({
      %run_scoped3A = tpu.sem_alloc : memref<!tpu.dma_semaphore, #tpu.memory_space<semaphore_mem>>
      %dma_start3A_13 = arith.constant 0 : i32
      %dma_start3A_14 = arith.constant 0 : i32
      %dma_start3A_15 = tpu.memref_slice %arg3[%add3A, %dma_start3A_13, %dma_start3A_14] : memref<32x16x128xi32, #tpu.memory_space<hbm>> -> memref<1x16x128xi32, #tpu.memory_space<hbm>>
      %dma_start3A_16 = tpu.memref_squeeze %dma_start3A_15 : memref<1x16x128xi32, #tpu.memory_space<hbm>> -> memref<16x128xi32, #tpu.memory_space<hbm>>
      %dma_start3A_17 = arith.constant 0 : i32
      %dma_start3A_18 = arith.constant 0 : i32
      %dma_start3A_19 = tpu.memref_slice %arg3[%add3A, %dma_start3A_17, %dma_start3A_18] : memref<32x16x128xi32, #tpu.memory_space<hbm>> -> memref<1x16x128xi32, #tpu.memory_space<hbm>>
      %dma_start3A_20 = tpu.memref_squeeze %dma_start3A_19 : memref<1x16x128xi32, #tpu.memory_space<hbm>> -> memref<16x128xi32, #tpu.memory_space<hbm>>
      tpu.enqueue_dma source(%dma_start3A_20 : memref<16x128xi32, #tpu.memory_space<hbm>>) target(%arg5 : memref<16x128xi32, #tpu.memory_space<vmem>>) target_semaphore(%run_scoped3A : memref<!tpu.dma_semaphore, #tpu.memory_space<semaphore_mem>>)
      %dma_wait3A = arith.constant 0 : i32
      %dma_wait3A_21 = arith.constant 0 : i32
      %dma_wait3A_22 = tpu.memref_slice %arg3[%add3A, %dma_wait3A, %dma_wait3A_21] : memref<32x16x128xi32, #tpu.memory_space<hbm>> -> memref<1x16x128xi32, #tpu.memory_space<hbm>>
      %dma_wait3A_23 = tpu.memref_squeeze %dma_wait3A_22 : memref<1x16x128xi32, #tpu.memory_space<hbm>> -> memref<16x128xi32, #tpu.memory_space<hbm>>
      %dma_wait3A_24 = arith.constant 0 : i32
      %dma_wait3A_25 = arith.constant 0 : i32
      %dma_wait3A_26 = tpu.memref_slice %arg3[%add3A, %dma_wait3A_24, %dma_wait3A_25] : memref<32x16x128xi32, #tpu.memory_space<hbm>> -> memref<1x16x128xi32, #tpu.memory_space<hbm>>
      %dma_wait3A_27 = tpu.memref_squeeze %dma_wait3A_26 : memref<1x16x128xi32, #tpu.memory_space<hbm>> -> memref<16x128xi32, #tpu.memory_space<hbm>>
      tpu.wait_dma2 semaphore(%run_scoped3A : memref<!tpu.dma_semaphore, #tpu.memory_space<semaphore_mem>>) src(%dma_wait3A_27 : memref<16x128xi32, #tpu.memory_space<hbm>>) dst(%arg5 : memref<16x128xi32, #tpu.memory_space<vmem>>)
      tpu.yield
    }) : () -> ()
    %dma_start3A = arith.constant 0 : i32
    %dma_start3A_1 = arith.constant 0 : i32
    %dma_start3A_2 = tpu.memref_slice %arg5[%dma_start3A, %dma_start3A_1] : memref<16x128xi32, #tpu.memory_space<vmem>> -> memref<1x128xi32, #tpu.memory_space<vmem>>
    %dma_start3A_3 = tpu.memref_squeeze %dma_start3A_2 : memref<1x128xi32, #tpu.memory_space<vmem>> -> memref<128xi32, #tpu.memory_space<vmem>>
    %dma_start3A_4 = arith.constant 0 : i32
    %dma_start3A_5 = arith.constant 0 : i32
    %dma_start3A_6 = tpu.memref_slice %arg2[%dma_start3A_4, %dma_start3A_5] : memref<399686x128xf32, #tpu.memory_space<hbm>> -> memref<399686x128xf32, #tpu.memory_space<hbm>>
    tpu.enqueue_indirect_dma source(%dma_start3A_6 : memref<399686x128xf32, #tpu.memory_space<hbm>>) target(%arg6 : memref<128x128xf32, #tpu.memory_space<vmem>>) offsets(%dma_start3A_3 : memref<128xi32, #tpu.memory_space<vmem>>) semaphore(%arg8 : memref<!tpu.dma_semaphore, #tpu.memory_space<semaphore_mem>>)
    %scan3A = arith.constant 0 : i32
    %scan3A_7 = arith.constant 0 : i32
    %scan3A_8 = arith.constant 16 : i32
    %scan3A_9 = arith.addi %scan3A_7, %scan3A_8 : i32
    %scan3A_10 = arith.constant 1 : i32
    %scan3A_11 = scf.for %scan3A_13 = %scan3A_7 to %scan3A_9 step %scan3A_10 iter_args(%scan3A_14 = %scan3A) -> (i32)  : i32 {
      %mul3A_15 = arith.constant 16 : i32
      %mul3A_16 = arith.muli %add3A, %mul3A_15 : i32
      %add3A_17 = arith.addi %mul3A_16, %scan3A_13 : i32
      %jit3A = arith.constant 8 : i32
      %div3A = arith.divsi %add3A_17, %jit3A : i32
      %sign3A = arith.constant 0 : i32
      %sign3A_18 = arith.cmpi sgt, %add3A_17, %sign3A : i32
      %sign3A_19 = arith.extui %sign3A_18 : i1 to i32
      %sign3A_20 = arith.constant 0 : i32
      %sign3A_21 = arith.cmpi slt, %add3A_17, %sign3A_20 : i32
      %sign3A_22 = arith.extui %sign3A_21 : i1 to i32
      %sign3A_23 = arith.subi %sign3A_19, %sign3A_22 : i32
      %sign3A_24 = arith.constant 0 : i32
      %sign3A_25 = arith.cmpi sgt, %jit3A, %sign3A_24 : i32
      %sign3A_26 = arith.extui %sign3A_25 : i1 to i32
      %sign3A_27 = arith.constant 0 : i32
      %sign3A_28 = arith.cmpi slt, %jit3A, %sign3A_27 : i32
      %sign3A_29 = arith.extui %sign3A_28 : i1 to i32
      %sign3A_30 = arith.subi %sign3A_26, %sign3A_29 : i32
      %ne3A = arith.cmpi ne, %sign3A_23, %sign3A_30 : i32
      %rem3A = arith.remsi %add3A_17, %jit3A : i32
      %ne3A_31 = arith.constant 0 : i32
      %ne3A_32 = arith.cmpi ne, %rem3A, %ne3A_31 : i32
      %and3A = arith.andi %ne3A, %ne3A_32 : i1
      %sub3A = arith.constant 1 : i32
      %sub3A_33 = arith.subi %div3A, %sub3A : i32
      %select_n3A = arith.select %and3A, %sub3A_33, %div3A : i32
      %jit3A_34 = arith.constant 8 : i32
      %eq3A = arith.constant 0 : i32
      %eq3A_35 = arith.cmpi eq, %jit3A_34, %eq3A : i32
      %jit3A_36 = arith.constant 1 : i32
      %select_n3A_37 = arith.select %eq3A_35, %jit3A_36, %jit3A_34 : i32
      %rem3A_38 = arith.remsi %add3A_17, %select_n3A_37 : i32
      %ne3A_39 = arith.constant 0 : i32
      %ne3A_40 = arith.cmpi ne, %rem3A_38, %ne3A_39 : i32
      %lt3A = arith.constant 0 : i32
      %lt3A_41 = arith.cmpi slt, %rem3A_38, %lt3A : i32
      %lt3A_42 = arith.constant 0 : i32
      %lt3A_43 = arith.cmpi slt, %select_n3A_37, %lt3A_42 : i32
      %ne3A_44 = arith.xori %lt3A_41, %lt3A_43 : i1
      %and3A_45 = arith.andi %ne3A_44, %ne3A_40 : i1
      %add3A_46 = arith.addi %rem3A_38, %select_n3A_37 : i32
      %select_n3A_47 = arith.select %and3A_45, %add3A_46, %rem3A_38 : i32
      %jit3A_48 = arith.constant 2 : i32
      %eq3A_49 = arith.constant 0 : i32
      %eq3A_50 = arith.cmpi eq, %jit3A_48, %eq3A_49 : i32
      %jit3A_51 = arith.constant 1 : i32
      %select_n3A_52 = arith.select %eq3A_50, %jit3A_51, %jit3A_48 : i32
      %rem3A_53 = arith.remsi %scan3A_13, %select_n3A_52 : i32
      %ne3A_54 = arith.constant 0 : i32
      %ne3A_55 = arith.cmpi ne, %rem3A_53, %ne3A_54 : i32
      %lt3A_56 = arith.constant 0 : i32
      %lt3A_57 = arith.cmpi slt, %rem3A_53, %lt3A_56 : i32
      %lt3A_58 = arith.constant 0 : i32
      %lt3A_59 = arith.cmpi slt, %select_n3A_52, %lt3A_58 : i32
      %ne3A_60 = arith.xori %lt3A_57, %lt3A_59 : i1
      %and3A_61 = arith.andi %ne3A_60, %ne3A_55 : i1
      %add3A_62 = arith.addi %rem3A_53, %select_n3A_52 : i32
      %select_n3A_63 = arith.select %and3A_61, %add3A_62, %rem3A_53 : i32
      %eq3A_64 = arith.constant 0 : i32
      %eq3A_65 = arith.cmpi eq, %select_n3A_63, %eq3A_64 : i32
      %convert_element_type3A = arith.extui %eq3A_65 : i1 to i32
      %cond3A = arith.constant 0 : i32
      %cond3A_66 = arith.cmpi ne, %convert_element_type3A, %cond3A : i32
      scf.if %cond3A_66 {
        %add3A_89 = arith.constant 1 : i32
        %add3A_90 = arith.addi %scan3A_13, %add3A_89 : i32
        %lt3A_91 = arith.constant 16 : i32
        %lt3A_92 = arith.cmpi slt, %add3A_90, %lt3A_91 : i32
        %convert_element_type3A_93 = arith.extui %lt3A_92 : i1 to i32
        %cond3A_94 = arith.constant 0 : i32
        %cond3A_95 = arith.cmpi ne, %convert_element_type3A_93, %cond3A_94 : i32
        scf.if %cond3A_95 {
          %add3A_105 = arith.constant 1 : i32
          %add3A_106 = arith.addi %scan3A_13, %add3A_105 : i32
          %dma_start3A_107 = arith.constant 0 : i32
          %dma_start3A_108 = tpu.memref_slice %arg5[%add3A_106, %dma_start3A_107] : memref<16x128xi32, #tpu.memory_space<vmem>> -> memref<1x128xi32, #tpu.memory_space<vmem>>
          %dma_start3A_109 = tpu.memref_squeeze %dma_start3A_108 : memref<1x128xi32, #tpu.memory_space<vmem>> -> memref<128xi32, #tpu.memory_space<vmem>>
          %dma_start3A_110 = arith.constant 0 : i32
          %dma_start3A_111 = arith.constant 0 : i32
          %dma_start3A_112 = tpu.memref_slice %arg2[%dma_start3A_110, %dma_start3A_111] : memref<399686x128xf32, #tpu.memory_space<hbm>> -> memref<399686x128xf32, #tpu.memory_space<hbm>>
          tpu.enqueue_indirect_dma source(%dma_start3A_112 : memref<399686x128xf32, #tpu.memory_space<hbm>>) target(%arg7 : memref<128x128xf32, #tpu.memory_space<vmem>>) offsets(%dma_start3A_109 : memref<128xi32, #tpu.memory_space<vmem>>) semaphore(%arg9 : memref<!tpu.dma_semaphore, #tpu.memory_space<semaphore_mem>>)
        } else {
        }
        %dma_wait3A = arith.constant 0 : i32
        %dma_wait3A_96 = tpu.memref_slice %arg5[%scan3A_13, %dma_wait3A] : memref<16x128xi32, #tpu.memory_space<vmem>> -> memref<1x128xi32, #tpu.memory_space<vmem>>
        %dma_wait3A_97 = tpu.memref_squeeze %dma_wait3A_96 : memref<1x128xi32, #tpu.memory_space<vmem>> -> memref<128xi32, #tpu.memory_space<vmem>>
        %dma_wait3A_98 = arith.constant 0 : i32
        %dma_wait3A_99 = arith.constant 0 : i32
        %dma_wait3A_100 = tpu.memref_slice %arg2[%dma_wait3A_98, %dma_wait3A_99] : memref<399686x128xf32, #tpu.memory_space<hbm>> -> memref<399686x128xf32, #tpu.memory_space<hbm>>
        tpu.wait_indirect_dma semaphore(%arg8 : memref<!tpu.dma_semaphore, #tpu.memory_space<semaphore_mem>>) src(%dma_wait3A_100 : memref<399686x128xf32, #tpu.memory_space<hbm>>) dst(%arg6 : memref<128x128xf32, #tpu.memory_space<vmem>>)
        %mul3A_101 = arith.constant 128 : i32
        %mul3A_102 = arith.muli %select_n3A, %mul3A_101 : i32
        %mul3A_103 = arith.constant 128 : i32
        %mul3A_104 = arith.muli %select_n3A_47, %mul3A_103 : i32
        "tpu.region"() ({
          %run_scoped3A = tpu.sem_alloc : memref<!tpu.dma_semaphore, #tpu.memory_space<semaphore_mem>>
          %dma_start3A_105 = tpu.memref_slice %arg4[%mul3A_102, %mul3A_104] : memref<8192x1024xf32, #tpu.memory_space<hbm>> -> memref<128x128xf32, #tpu.memory_space<hbm>>
          %dma_start3A_106 = tpu.memref_slice %arg4[%mul3A_102, %mul3A_104] : memref<8192x1024xf32, #tpu.memory_space<hbm>> -> memref<128x128xf32, #tpu.memory_space<hbm>>
          tpu.enqueue_dma source(%arg6 : memref<128x128xf32, #tpu.memory_space<vmem>>) target(%dma_start3A_106 : memref<128x128xf32, #tpu.memory_space<hbm>>) target_semaphore(%run_scoped3A : memref<!tpu.dma_semaphore, #tpu.memory_space<semaphore_mem>>)
          %dma_wait3A_107 = tpu.memref_slice %arg4[%mul3A_102, %mul3A_104] : memref<8192x1024xf32, #tpu.memory_space<hbm>> -> memref<128x128xf32, #tpu.memory_space<hbm>>
          %dma_wait3A_108 = tpu.memref_slice %arg4[%mul3A_102, %mul3A_104] : memref<8192x1024xf32, #tpu.memory_space<hbm>> -> memref<128x128xf32, #tpu.memory_space<hbm>>
          tpu.wait_dma2 semaphore(%run_scoped3A : memref<!tpu.dma_semaphore, #tpu.memory_space<semaphore_mem>>) src(%arg6 : memref<128x128xf32, #tpu.memory_space<vmem>>) dst(%dma_wait3A_108 : memref<128x128xf32, #tpu.memory_space<hbm>>)
          tpu.yield
        }) : () -> ()
      } else {
      }
      %jit3A_67 = arith.constant 2 : i32
      %eq3A_68 = arith.constant 0 : i32
      %eq3A_69 = arith.cmpi eq, %jit3A_67, %eq3A_68 : i32
      %jit3A_70 = arith.constant 1 : i32
      %select_n3A_71 = arith.select %eq3A_69, %jit3A_70, %jit3A_67 : i32
      %rem3A_72 = arith.remsi %scan3A_13, %select_n3A_71 : i32
      %ne3A_73 = arith.constant 0 : i32
      %ne3A_74 = arith.cmpi ne, %rem3A_72, %ne3A_73 : i32
      %lt3A_75 = arith.constant 0 : i32
      %lt3A_76 = arith.cmpi slt, %rem3A_72, %lt3A_75 : i32
      %lt3A_77 = arith.constant 0 : i32
      %lt3A_78 = arith.cmpi slt, %select_n3A_71, %lt3A_77 : i32
      %ne3A_79 = arith.xori %lt3A_76, %lt3A_78 : i1
      %and3A_80 = arith.andi %ne3A_79, %ne3A_74 : i1
      %add3A_81 = arith.addi %rem3A_72, %select_n3A_71 : i32
      %select_n3A_82 = arith.select %and3A_80, %add3A_81, %rem3A_72 : i32
      %eq3A_83 = arith.constant 1 : i32
      %eq3A_84 = arith.cmpi eq, %select_n3A_82, %eq3A_83 : i32
      %convert_element_type3A_85 = arith.extui %eq3A_84 : i1 to i32
      %cond3A_86 = arith.constant 0 : i32
      %cond3A_87 = arith.cmpi ne, %convert_element_type3A_85, %cond3A_86 : i32
      scf.if %cond3A_87 {
        %add3A_89 = arith.constant 1 : i32
        %add3A_90 = arith.addi %scan3A_13, %add3A_89 : i32
        %lt3A_91 = arith.constant 16 : i32
        %lt3A_92 = arith.cmpi slt, %add3A_90, %lt3A_91 : i32
        %convert_element_type3A_93 = arith.extui %lt3A_92 : i1 to i32
        %cond3A_94 = arith.constant 0 : i32
        %cond3A_95 = arith.cmpi ne, %convert_element_type3A_93, %cond3A_94 : i32
        scf.if %cond3A_95 {
          %add3A_105 = arith.constant 1 : i32
          %add3A_106 = arith.addi %scan3A_13, %add3A_105 : i32
          %dma_start3A_107 = arith.constant 0 : i32
          %dma_start3A_108 = tpu.memref_slice %arg5[%add3A_106, %dma_start3A_107] : memref<16x128xi32, #tpu.memory_space<vmem>> -> memref<1x128xi32, #tpu.memory_space<vmem>>
          %dma_start3A_109 = tpu.memref_squeeze %dma_start3A_108 : memref<1x128xi32, #tpu.memory_space<vmem>> -> memref<128xi32, #tpu.memory_space<vmem>>
          %dma_start3A_110 = arith.constant 0 : i32
          %dma_start3A_111 = arith.constant 0 : i32
          %dma_start3A_112 = tpu.memref_slice %arg2[%dma_start3A_110, %dma_start3A_111] : memref<399686x128xf32, #tpu.memory_space<hbm>> -> memref<399686x128xf32, #tpu.memory_space<hbm>>
          tpu.enqueue_indirect_dma source(%dma_start3A_112 : memref<399686x128xf32, #tpu.memory_space<hbm>>) target(%arg6 : memref<128x128xf32, #tpu.memory_space<vmem>>) offsets(%dma_start3A_109 : memref<128xi32, #tpu.memory_space<vmem>>) semaphore(%arg8 : memref<!tpu.dma_semaphore, #tpu.memory_space<semaphore_mem>>)
        } else {
        }
        %dma_wait3A = arith.constant 0 : i32
        %dma_wait3A_96 = tpu.memref_slice %arg5[%scan3A_13, %dma_wait3A] : memref<16x128xi32, #tpu.memory_space<vmem>> -> memref<1x128xi32, #tpu.memory_space<vmem>>
        %dma_wait3A_97 = tpu.memref_squeeze %dma_wait3A_96 : memref<1x128xi32, #tpu.memory_space<vmem>> -> memref<128xi32, #tpu.memory_space<vmem>>
        %dma_wait3A_98 = arith.constant 0 : i32
        %dma_wait3A_99 = arith.constant 0 : i32
        %dma_wait3A_100 = tpu.memref_slice %arg2[%dma_wait3A_98, %dma_wait3A_99] : memref<399686x128xf32, #tpu.memory_space<hbm>> -> memref<399686x128xf32, #tpu.memory_space<hbm>>
        tpu.wait_indirect_dma semaphore(%arg9 : memref<!tpu.dma_semaphore, #tpu.memory_space<semaphore_mem>>) src(%dma_wait3A_100 : memref<399686x128xf32, #tpu.memory_space<hbm>>) dst(%arg7 : memref<128x128xf32, #tpu.memory_space<vmem>>)
        %mul3A_101 = arith.constant 128 : i32
        %mul3A_102 = arith.muli %select_n3A, %mul3A_101 : i32
        %mul3A_103 = arith.constant 128 : i32
        %mul3A_104 = arith.muli %select_n3A_47, %mul3A_103 : i32
        "tpu.region"() ({
          %run_scoped3A = tpu.sem_alloc : memref<!tpu.dma_semaphore, #tpu.memory_space<semaphore_mem>>
          %dma_start3A_105 = tpu.memref_slice %arg4[%mul3A_102, %mul3A_104] : memref<8192x1024xf32, #tpu.memory_space<hbm>> -> memref<128x128xf32, #tpu.memory_space<hbm>>
          %dma_start3A_106 = tpu.memref_slice %arg4[%mul3A_102, %mul3A_104] : memref<8192x1024xf32, #tpu.memory_space<hbm>> -> memref<128x128xf32, #tpu.memory_space<hbm>>
          tpu.enqueue_dma source(%arg7 : memref<128x128xf32, #tpu.memory_space<vmem>>) target(%dma_start3A_106 : memref<128x128xf32, #tpu.memory_space<hbm>>) target_semaphore(%run_scoped3A : memref<!tpu.dma_semaphore, #tpu.memory_space<semaphore_mem>>)
          %dma_wait3A_107 = tpu.memref_slice %arg4[%mul3A_102, %mul3A_104] : memref<8192x1024xf32, #tpu.memory_space<hbm>> -> memref<128x128xf32, #tpu.memory_space<hbm>>
          %dma_wait3A_108 = tpu.memref_slice %arg4[%mul3A_102, %mul3A_104] : memref<8192x1024xf32, #tpu.memory_space<hbm>> -> memref<128x128xf32, #tpu.memory_space<hbm>>
          tpu.wait_dma2 semaphore(%run_scoped3A : memref<!tpu.dma_semaphore, #tpu.memory_space<semaphore_mem>>) src(%arg7 : memref<128x128xf32, #tpu.memory_space<vmem>>) dst(%dma_wait3A_108 : memref<128x128xf32, #tpu.memory_space<hbm>>)
          tpu.yield
        }) : () -> ()
      } else {
      }
      %scan3A_88 = arith.constant 0 : i32
      scf.yield %scan3A_88 : i32
    }
    %scan3A_12 = arith.constant 16 : i32
    return
  }
}

module attributes {stable_mosaic.version = 14 : i64} {
  func.func @body(%arg0: i32, %arg1: memref<256x1024xf32, #tpu.memory_space<vmem>>, %arg2: memref<8192x4x1024xf32, #tpu.memory_space<any>>, %arg3: memref<5120x1024xbf16, #tpu.memory_space<vmem>>, %arg4: memref<1024x272xbf16, #tpu.memory_space<vmem>>, %arg5: memref<4x1024xf32, #tpu.memory_space<vmem>>, %arg6: memref<4x1024xf32, #tpu.memory_space<vmem>>, %arg7: memref<4x4096xf32, #tpu.memory_space<vmem>>, %arg8: memref<8192x4x1024xf32, #tpu.memory_space<any>>, %arg9: memref<4x16x1024xf32, #tpu.memory_space<vmem>>, %arg10: memref<2x4x256x1024xf32, #tpu.memory_space<vmem>>, %arg11: memref<2x4x256x1024xf32, #tpu.memory_space<vmem>>, %arg12: memref<2x!tpu.dma_semaphore, #tpu.memory_space<semaphore_mem>>, %arg13: memref<2x!tpu.dma_semaphore, #tpu.memory_space<semaphore_mem>>) attributes {dimension_semantics = [#tpu.dimension_semantics<arbitrary>], iteration_bounds = array<i64: 32>, scalar_prefetch = 0 : i64, scratch_operands = 5 : i64, tpu.core_type = #tpu.core_type<tc>, window_params = [{transform_indices = @transform_0, window_bounds = array<i64: 256, 1024>}, {}, {pipeline_mode = #tpu.pipeline_mode<synchronous>, transform_indices = @transform_2, window_bounds = array<i64: 5120, 1024>}, {pipeline_mode = #tpu.pipeline_mode<synchronous>, transform_indices = @transform_3, window_bounds = array<i64: 1024, 272>}, {pipeline_mode = #tpu.pipeline_mode<synchronous>, transform_indices = @transform_4, window_bounds = array<i64: 4, 1024>}, {pipeline_mode = #tpu.pipeline_mode<synchronous>, transform_indices = @transform_5, window_bounds = array<i64: 4, 1024>}, {pipeline_mode = #tpu.pipeline_mode<synchronous>, transform_indices = @transform_6, window_bounds = array<i64: 4, 4096>}, {}]} {
    %jit3A = arith.constant 2 : i32
    %eq3A = arith.constant 0 : i32
    %eq3A_0 = arith.cmpi eq, %jit3A, %eq3A : i32
    %jit3A_1 = arith.constant 1 : i32
    %select_n3A = arith.select %eq3A_0, %jit3A_1, %jit3A : i32
    %rem3A = arith.remsi %arg0, %select_n3A : i32
    %ne3A = arith.constant 0 : i32
    %ne3A_2 = arith.cmpi ne, %rem3A, %ne3A : i32
    %lt3A = arith.constant 0 : i32
    %lt3A_3 = arith.cmpi slt, %rem3A, %lt3A : i32
    %lt3A_4 = arith.constant 0 : i32
    %lt3A_5 = arith.cmpi slt, %select_n3A, %lt3A_4 : i32
    %ne3A_6 = arith.xori %lt3A_3, %lt3A_5 : i1
    %and3A = arith.andi %ne3A_6, %ne3A_2 : i1
    %add3A = arith.addi %rem3A, %select_n3A : i32
    %select_n3A_7 = arith.select %and3A, %add3A, %rem3A : i32
    %jit3A_8 = arith.constant 8 : i32
    %eq3A_9 = arith.constant 0 : i32
    %eq3A_10 = arith.cmpi eq, %jit3A_8, %eq3A_9 : i32
    %jit3A_11 = arith.constant 1 : i32
    %select_n3A_12 = arith.select %eq3A_10, %jit3A_11, %jit3A_8 : i32
    %rem3A_13 = arith.remsi %arg0, %select_n3A_12 : i32
    %ne3A_14 = arith.constant 0 : i32
    %ne3A_15 = arith.cmpi ne, %rem3A_13, %ne3A_14 : i32
    %lt3A_16 = arith.constant 0 : i32
    %lt3A_17 = arith.cmpi slt, %rem3A_13, %lt3A_16 : i32
    %lt3A_18 = arith.constant 0 : i32
    %lt3A_19 = arith.cmpi slt, %select_n3A_12, %lt3A_18 : i32
    %ne3A_20 = arith.xori %lt3A_17, %lt3A_19 : i1
    %and3A_21 = arith.andi %ne3A_20, %ne3A_15 : i1
    %add3A_22 = arith.addi %rem3A_13, %select_n3A_12 : i32
    %select_n3A_23 = arith.select %and3A_21, %add3A_22, %rem3A_13 : i32
    %eq3A_24 = arith.constant 0 : i32
    %eq3A_25 = arith.cmpi eq, %select_n3A_23, %eq3A_24 : i32
    %eq3A_26 = arith.constant 0 : i32
    %eq3A_27 = arith.cmpi eq, %arg0, %eq3A_26 : i32
    %convert_element_type3A = arith.extui %eq3A_27 : i1 to i32
    %cond3A = arith.constant 0 : i32
    %cond3A_28 = arith.cmpi ne, %convert_element_type3A, %cond3A : i32
    scf.if %cond3A_28 {
      %dma_start3A_801 = arith.constant 0 : i32
      %dma_start3A_802 = arith.constant 0 : i32
      %dma_start3A_803 = arith.constant 0 : i32
      %dma_start3A_804 = arith.constant 0 : i32
      %dma_start3A_805 = tpu.memref_slice %arg12[%dma_start3A_804] : memref<2x!tpu.dma_semaphore, #tpu.memory_space<semaphore_mem>> -> memref<1x!tpu.dma_semaphore, #tpu.memory_space<semaphore_mem>>
      %dma_start3A_806 = tpu.memref_squeeze %dma_start3A_805 : memref<1x!tpu.dma_semaphore, #tpu.memory_space<semaphore_mem>> -> memref<!tpu.dma_semaphore, #tpu.memory_space<semaphore_mem>>
      %dma_start3A_807 = arith.constant 0 : i32
      %dma_start3A_808 = arith.constant 0 : i32
      %dma_start3A_809 = tpu.memref_slice %arg10[%dma_start3A_802, %dma_start3A_803, %dma_start3A_807, %dma_start3A_808] : memref<2x4x256x1024xf32, #tpu.memory_space<vmem>> -> memref<1x1x256x1024xf32, #tpu.memory_space<vmem>>
      %dma_start3A_810 = tpu.memref_squeeze %dma_start3A_809 : memref<1x1x256x1024xf32, #tpu.memory_space<vmem>> -> memref<256x1024xf32, #tpu.memory_space<vmem>>
      %dma_start3A_811 = arith.constant 0 : i32
      %dma_start3A_812 = arith.constant 0 : i32
      %dma_start3A_813 = tpu.memref_slice %arg2[%dma_start3A_811, %dma_start3A_801, %dma_start3A_812] : memref<8192x4x1024xf32, #tpu.memory_space<any>> -> memref<256x1x1024xf32, #tpu.memory_space<any>>
      %dma_start3A_814 = tpu.memref_squeeze %dma_start3A_813 : memref<256x1x1024xf32, #tpu.memory_space<any>> -> memref<256x1024xf32, #tpu.memory_space<any>>
      tpu.enqueue_dma source(%dma_start3A_814 : memref<256x1024xf32, #tpu.memory_space<any>>) target(%dma_start3A_810 : memref<256x1024xf32, #tpu.memory_space<vmem>>) target_semaphore(%dma_start3A_806 : memref<!tpu.dma_semaphore, #tpu.memory_space<semaphore_mem>>)
      %dma_start3A_815 = arith.constant 1 : i32
      %dma_start3A_816 = arith.constant 0 : i32
      %dma_start3A_817 = arith.constant 1 : i32
      %dma_start3A_818 = arith.constant 0 : i32
      %dma_start3A_819 = tpu.memref_slice %arg12[%dma_start3A_818] : memref<2x!tpu.dma_semaphore, #tpu.memory_space<semaphore_mem>> -> memref<1x!tpu.dma_semaphore, #tpu.memory_space<semaphore_mem>>
      %dma_start3A_820 = tpu.memref_squeeze %dma_start3A_819 : memref<1x!tpu.dma_semaphore, #tpu.memory_space<semaphore_mem>> -> memref<!tpu.dma_semaphore, #tpu.memory_space<semaphore_mem>>
      %dma_start3A_821 = arith.constant 0 : i32
      %dma_start3A_822 = arith.constant 0 : i32
      %dma_start3A_823 = tpu.memref_slice %arg10[%dma_start3A_816, %dma_start3A_817, %dma_start3A_821, %dma_start3A_822] : memref<2x4x256x1024xf32, #tpu.memory_space<vmem>> -> memref<1x1x256x1024xf32, #tpu.memory_space<vmem>>
      %dma_start3A_824 = tpu.memref_squeeze %dma_start3A_823 : memref<1x1x256x1024xf32, #tpu.memory_space<vmem>> -> memref<256x1024xf32, #tpu.memory_space<vmem>>
      %dma_start3A_825 = arith.constant 0 : i32
      %dma_start3A_826 = arith.constant 0 : i32
      %dma_start3A_827 = tpu.memref_slice %arg2[%dma_start3A_825, %dma_start3A_815, %dma_start3A_826] : memref<8192x4x1024xf32, #tpu.memory_space<any>> -> memref<256x1x1024xf32, #tpu.memory_space<any>>
      %dma_start3A_828 = tpu.memref_squeeze %dma_start3A_827 : memref<256x1x1024xf32, #tpu.memory_space<any>> -> memref<256x1024xf32, #tpu.memory_space<any>>
      tpu.enqueue_dma source(%dma_start3A_828 : memref<256x1024xf32, #tpu.memory_space<any>>) target(%dma_start3A_824 : memref<256x1024xf32, #tpu.memory_space<vmem>>) target_semaphore(%dma_start3A_820 : memref<!tpu.dma_semaphore, #tpu.memory_space<semaphore_mem>>)
      %dma_start3A_829 = arith.constant 2 : i32
      %dma_start3A_830 = arith.constant 0 : i32
      %dma_start3A_831 = arith.constant 2 : i32
      %dma_start3A_832 = arith.constant 0 : i32
      %dma_start3A_833 = tpu.memref_slice %arg12[%dma_start3A_832] : memref<2x!tpu.dma_semaphore, #tpu.memory_space<semaphore_mem>> -> memref<1x!tpu.dma_semaphore, #tpu.memory_space<semaphore_mem>>
      %dma_start3A_834 = tpu.memref_squeeze %dma_start3A_833 : memref<1x!tpu.dma_semaphore, #tpu.memory_space<semaphore_mem>> -> memref<!tpu.dma_semaphore, #tpu.memory_space<semaphore_mem>>
      %dma_start3A_835 = arith.constant 0 : i32
      %dma_start3A_836 = arith.constant 0 : i32
      %dma_start3A_837 = tpu.memref_slice %arg10[%dma_start3A_830, %dma_start3A_831, %dma_start3A_835, %dma_start3A_836] : memref<2x4x256x1024xf32, #tpu.memory_space<vmem>> -> memref<1x1x256x1024xf32, #tpu.memory_space<vmem>>
      %dma_start3A_838 = tpu.memref_squeeze %dma_start3A_837 : memref<1x1x256x1024xf32, #tpu.memory_space<vmem>> -> memref<256x1024xf32, #tpu.memory_space<vmem>>
      %dma_start3A_839 = arith.constant 0 : i32
      %dma_start3A_840 = arith.constant 0 : i32
      %dma_start3A_841 = tpu.memref_slice %arg2[%dma_start3A_839, %dma_start3A_829, %dma_start3A_840] : memref<8192x4x1024xf32, #tpu.memory_space<any>> -> memref<256x1x1024xf32, #tpu.memory_space<any>>
      %dma_start3A_842 = tpu.memref_squeeze %dma_start3A_841 : memref<256x1x1024xf32, #tpu.memory_space<any>> -> memref<256x1024xf32, #tpu.memory_space<any>>
      tpu.enqueue_dma source(%dma_start3A_842 : memref<256x1024xf32, #tpu.memory_space<any>>) target(%dma_start3A_838 : memref<256x1024xf32, #tpu.memory_space<vmem>>) target_semaphore(%dma_start3A_834 : memref<!tpu.dma_semaphore, #tpu.memory_space<semaphore_mem>>)
      %dma_start3A_843 = arith.constant 3 : i32
      %dma_start3A_844 = arith.constant 0 : i32
      %dma_start3A_845 = arith.constant 3 : i32
      %dma_start3A_846 = arith.constant 0 : i32
      %dma_start3A_847 = tpu.memref_slice %arg12[%dma_start3A_846] : memref<2x!tpu.dma_semaphore, #tpu.memory_space<semaphore_mem>> -> memref<1x!tpu.dma_semaphore, #tpu.memory_space<semaphore_mem>>
      %dma_start3A_848 = tpu.memref_squeeze %dma_start3A_847 : memref<1x!tpu.dma_semaphore, #tpu.memory_space<semaphore_mem>> -> memref<!tpu.dma_semaphore, #tpu.memory_space<semaphore_mem>>
      %dma_start3A_849 = arith.constant 0 : i32
      %dma_start3A_850 = arith.constant 0 : i32
      %dma_start3A_851 = tpu.memref_slice %arg10[%dma_start3A_844, %dma_start3A_845, %dma_start3A_849, %dma_start3A_850] : memref<2x4x256x1024xf32, #tpu.memory_space<vmem>> -> memref<1x1x256x1024xf32, #tpu.memory_space<vmem>>
      %dma_start3A_852 = tpu.memref_squeeze %dma_start3A_851 : memref<1x1x256x1024xf32, #tpu.memory_space<vmem>> -> memref<256x1024xf32, #tpu.memory_space<vmem>>
      %dma_start3A_853 = arith.constant 0 : i32
      %dma_start3A_854 = arith.constant 0 : i32
      %dma_start3A_855 = tpu.memref_slice %arg2[%dma_start3A_853, %dma_start3A_843, %dma_start3A_854] : memref<8192x4x1024xf32, #tpu.memory_space<any>> -> memref<256x1x1024xf32, #tpu.memory_space<any>>
      %dma_start3A_856 = tpu.memref_squeeze %dma_start3A_855 : memref<256x1x1024xf32, #tpu.memory_space<any>> -> memref<256x1024xf32, #tpu.memory_space<any>>
      tpu.enqueue_dma source(%dma_start3A_856 : memref<256x1024xf32, #tpu.memory_space<any>>) target(%dma_start3A_852 : memref<256x1024xf32, #tpu.memory_space<vmem>>) target_semaphore(%dma_start3A_848 : memref<!tpu.dma_semaphore, #tpu.memory_space<semaphore_mem>>)
    } else {
    }
    %add3A_29 = arith.constant 1 : i32
    %add3A_30 = arith.addi %arg0, %add3A_29 : i32
    %lt3A_31 = arith.constant 32 : i32
    %lt3A_32 = arith.cmpi slt, %add3A_30, %lt3A_31 : i32
    %convert_element_type3A_33 = arith.extui %lt3A_32 : i1 to i32
    %cond3A_34 = arith.constant 0 : i32
    %cond3A_35 = arith.cmpi ne, %convert_element_type3A_33, %cond3A_34 : i32
    scf.if %cond3A_35 {
      %add3A_801 = arith.constant 1 : i32
      %add3A_802 = arith.addi %arg0, %add3A_801 : i32
      %add3A_803 = arith.constant 1 : i32
      %add3A_804 = arith.addi %arg0, %add3A_803 : i32
      %jit3A_805 = arith.constant 2 : i32
      %eq3A_806 = arith.constant 0 : i32
      %eq3A_807 = arith.cmpi eq, %jit3A_805, %eq3A_806 : i32
      %jit3A_808 = arith.constant 1 : i32
      %select_n3A_809 = arith.select %eq3A_807, %jit3A_808, %jit3A_805 : i32
      %rem3A_810 = arith.remsi %add3A_804, %select_n3A_809 : i32
      %ne3A_811 = arith.constant 0 : i32
      %ne3A_812 = arith.cmpi ne, %rem3A_810, %ne3A_811 : i32
      %lt3A_813 = arith.constant 0 : i32
      %lt3A_814 = arith.cmpi slt, %rem3A_810, %lt3A_813 : i32
      %lt3A_815 = arith.constant 0 : i32
      %lt3A_816 = arith.cmpi slt, %select_n3A_809, %lt3A_815 : i32
      %ne3A_817 = arith.xori %lt3A_814, %lt3A_816 : i1
      %and3A_818 = arith.andi %ne3A_817, %ne3A_812 : i1
      %add3A_819 = arith.addi %rem3A_810, %select_n3A_809 : i32
      %select_n3A_820 = arith.select %and3A_818, %add3A_819, %rem3A_810 : i32
      %mul3A_821 = arith.constant 256 : i32
      %mul3A_822 = arith.muli %add3A_802, %mul3A_821 : i32
      %dma_start3A_823 = arith.constant 0 : i32
      %dma_start3A_824 = arith.constant 0 : i32
      %dma_start3A_825 = tpu.memref_slice %arg12[%select_n3A_820] : memref<2x!tpu.dma_semaphore, #tpu.memory_space<semaphore_mem>> -> memref<1x!tpu.dma_semaphore, #tpu.memory_space<semaphore_mem>>
      %dma_start3A_826 = tpu.memref_squeeze %dma_start3A_825 : memref<1x!tpu.dma_semaphore, #tpu.memory_space<semaphore_mem>> -> memref<!tpu.dma_semaphore, #tpu.memory_space<semaphore_mem>>
      %dma_start3A_827 = arith.constant 0 : i32
      %dma_start3A_828 = arith.constant 0 : i32
      %dma_start3A_829 = tpu.memref_slice %arg10[%select_n3A_820, %dma_start3A_824, %dma_start3A_827, %dma_start3A_828] : memref<2x4x256x1024xf32, #tpu.memory_space<vmem>> -> memref<1x1x256x1024xf32, #tpu.memory_space<vmem>>
      %dma_start3A_830 = tpu.memref_squeeze %dma_start3A_829 : memref<1x1x256x1024xf32, #tpu.memory_space<vmem>> -> memref<256x1024xf32, #tpu.memory_space<vmem>>
      %dma_start3A_831 = arith.constant 0 : i32
      %dma_start3A_832 = tpu.memref_slice %arg2[%mul3A_822, %dma_start3A_823, %dma_start3A_831] : memref<8192x4x1024xf32, #tpu.memory_space<any>> -> memref<256x1x1024xf32, #tpu.memory_space<any>>
      %dma_start3A_833 = tpu.memref_squeeze %dma_start3A_832 : memref<256x1x1024xf32, #tpu.memory_space<any>> -> memref<256x1024xf32, #tpu.memory_space<any>>
      tpu.enqueue_dma source(%dma_start3A_833 : memref<256x1024xf32, #tpu.memory_space<any>>) target(%dma_start3A_830 : memref<256x1024xf32, #tpu.memory_space<vmem>>) target_semaphore(%dma_start3A_826 : memref<!tpu.dma_semaphore, #tpu.memory_space<semaphore_mem>>)
      %add3A_834 = arith.constant 1 : i32
      %add3A_835 = arith.addi %arg0, %add3A_834 : i32
      %add3A_836 = arith.constant 1 : i32
      %add3A_837 = arith.addi %arg0, %add3A_836 : i32
      %jit3A_838 = arith.constant 2 : i32
      %eq3A_839 = arith.constant 0 : i32
      %eq3A_840 = arith.cmpi eq, %jit3A_838, %eq3A_839 : i32
      %jit3A_841 = arith.constant 1 : i32
      %select_n3A_842 = arith.select %eq3A_840, %jit3A_841, %jit3A_838 : i32
      %rem3A_843 = arith.remsi %add3A_837, %select_n3A_842 : i32
      %ne3A_844 = arith.constant 0 : i32
      %ne3A_845 = arith.cmpi ne, %rem3A_843, %ne3A_844 : i32
      %lt3A_846 = arith.constant 0 : i32
      %lt3A_847 = arith.cmpi slt, %rem3A_843, %lt3A_846 : i32
      %lt3A_848 = arith.constant 0 : i32
      %lt3A_849 = arith.cmpi slt, %select_n3A_842, %lt3A_848 : i32
      %ne3A_850 = arith.xori %lt3A_847, %lt3A_849 : i1
      %and3A_851 = arith.andi %ne3A_850, %ne3A_845 : i1
      %add3A_852 = arith.addi %rem3A_843, %select_n3A_842 : i32
      %select_n3A_853 = arith.select %and3A_851, %add3A_852, %rem3A_843 : i32
      %mul3A_854 = arith.constant 256 : i32
      %mul3A_855 = arith.muli %add3A_835, %mul3A_854 : i32
      %dma_start3A_856 = arith.constant 1 : i32
      %dma_start3A_857 = arith.constant 1 : i32
      %dma_start3A_858 = tpu.memref_slice %arg12[%select_n3A_853] : memref<2x!tpu.dma_semaphore, #tpu.memory_space<semaphore_mem>> -> memref<1x!tpu.dma_semaphore, #tpu.memory_space<semaphore_mem>>
      %dma_start3A_859 = tpu.memref_squeeze %dma_start3A_858 : memref<1x!tpu.dma_semaphore, #tpu.memory_space<semaphore_mem>> -> memref<!tpu.dma_semaphore, #tpu.memory_space<semaphore_mem>>
      %dma_start3A_860 = arith.constant 0 : i32
      %dma_start3A_861 = arith.constant 0 : i32
      %dma_start3A_862 = tpu.memref_slice %arg10[%select_n3A_853, %dma_start3A_857, %dma_start3A_860, %dma_start3A_861] : memref<2x4x256x1024xf32, #tpu.memory_space<vmem>> -> memref<1x1x256x1024xf32, #tpu.memory_space<vmem>>
      %dma_start3A_863 = tpu.memref_squeeze %dma_start3A_862 : memref<1x1x256x1024xf32, #tpu.memory_space<vmem>> -> memref<256x1024xf32, #tpu.memory_space<vmem>>
      %dma_start3A_864 = arith.constant 0 : i32
      %dma_start3A_865 = tpu.memref_slice %arg2[%mul3A_855, %dma_start3A_856, %dma_start3A_864] : memref<8192x4x1024xf32, #tpu.memory_space<any>> -> memref<256x1x1024xf32, #tpu.memory_space<any>>
      %dma_start3A_866 = tpu.memref_squeeze %dma_start3A_865 : memref<256x1x1024xf32, #tpu.memory_space<any>> -> memref<256x1024xf32, #tpu.memory_space<any>>
      tpu.enqueue_dma source(%dma_start3A_866 : memref<256x1024xf32, #tpu.memory_space<any>>) target(%dma_start3A_863 : memref<256x1024xf32, #tpu.memory_space<vmem>>) target_semaphore(%dma_start3A_859 : memref<!tpu.dma_semaphore, #tpu.memory_space<semaphore_mem>>)
      %add3A_867 = arith.constant 1 : i32
      %add3A_868 = arith.addi %arg0, %add3A_867 : i32
      %add3A_869 = arith.constant 1 : i32
      %add3A_870 = arith.addi %arg0, %add3A_869 : i32
      %jit3A_871 = arith.constant 2 : i32
      %eq3A_872 = arith.constant 0 : i32
      %eq3A_873 = arith.cmpi eq, %jit3A_871, %eq3A_872 : i32
      %jit3A_874 = arith.constant 1 : i32
      %select_n3A_875 = arith.select %eq3A_873, %jit3A_874, %jit3A_871 : i32
      %rem3A_876 = arith.remsi %add3A_870, %select_n3A_875 : i32
      %ne3A_877 = arith.constant 0 : i32
      %ne3A_878 = arith.cmpi ne, %rem3A_876, %ne3A_877 : i32
      %lt3A_879 = arith.constant 0 : i32
      %lt3A_880 = arith.cmpi slt, %rem3A_876, %lt3A_879 : i32
      %lt3A_881 = arith.constant 0 : i32
      %lt3A_882 = arith.cmpi slt, %select_n3A_875, %lt3A_881 : i32
      %ne3A_883 = arith.xori %lt3A_880, %lt3A_882 : i1
      %and3A_884 = arith.andi %ne3A_883, %ne3A_878 : i1
      %add3A_885 = arith.addi %rem3A_876, %select_n3A_875 : i32
      %select_n3A_886 = arith.select %and3A_884, %add3A_885, %rem3A_876 : i32
      %mul3A_887 = arith.constant 256 : i32
      %mul3A_888 = arith.muli %add3A_868, %mul3A_887 : i32
      %dma_start3A_889 = arith.constant 2 : i32
      %dma_start3A_890 = arith.constant 2 : i32
      %dma_start3A_891 = tpu.memref_slice %arg12[%select_n3A_886] : memref<2x!tpu.dma_semaphore, #tpu.memory_space<semaphore_mem>> -> memref<1x!tpu.dma_semaphore, #tpu.memory_space<semaphore_mem>>
      %dma_start3A_892 = tpu.memref_squeeze %dma_start3A_891 : memref<1x!tpu.dma_semaphore, #tpu.memory_space<semaphore_mem>> -> memref<!tpu.dma_semaphore, #tpu.memory_space<semaphore_mem>>
      %dma_start3A_893 = arith.constant 0 : i32
      %dma_start3A_894 = arith.constant 0 : i32
      %dma_start3A_895 = tpu.memref_slice %arg10[%select_n3A_886, %dma_start3A_890, %dma_start3A_893, %dma_start3A_894] : memref<2x4x256x1024xf32, #tpu.memory_space<vmem>> -> memref<1x1x256x1024xf32, #tpu.memory_space<vmem>>
      %dma_start3A_896 = tpu.memref_squeeze %dma_start3A_895 : memref<1x1x256x1024xf32, #tpu.memory_space<vmem>> -> memref<256x1024xf32, #tpu.memory_space<vmem>>
      %dma_start3A_897 = arith.constant 0 : i32
      %dma_start3A_898 = tpu.memref_slice %arg2[%mul3A_888, %dma_start3A_889, %dma_start3A_897] : memref<8192x4x1024xf32, #tpu.memory_space<any>> -> memref<256x1x1024xf32, #tpu.memory_space<any>>
      %dma_start3A_899 = tpu.memref_squeeze %dma_start3A_898 : memref<256x1x1024xf32, #tpu.memory_space<any>> -> memref<256x1024xf32, #tpu.memory_space<any>>
      tpu.enqueue_dma source(%dma_start3A_899 : memref<256x1024xf32, #tpu.memory_space<any>>) target(%dma_start3A_896 : memref<256x1024xf32, #tpu.memory_space<vmem>>) target_semaphore(%dma_start3A_892 : memref<!tpu.dma_semaphore, #tpu.memory_space<semaphore_mem>>)
      %add3A_900 = arith.constant 1 : i32
      %add3A_901 = arith.addi %arg0, %add3A_900 : i32
      %add3A_902 = arith.constant 1 : i32
      %add3A_903 = arith.addi %arg0, %add3A_902 : i32
      %jit3A_904 = arith.constant 2 : i32
      %eq3A_905 = arith.constant 0 : i32
      %eq3A_906 = arith.cmpi eq, %jit3A_904, %eq3A_905 : i32
      %jit3A_907 = arith.constant 1 : i32
      %select_n3A_908 = arith.select %eq3A_906, %jit3A_907, %jit3A_904 : i32
      %rem3A_909 = arith.remsi %add3A_903, %select_n3A_908 : i32
      %ne3A_910 = arith.constant 0 : i32
      %ne3A_911 = arith.cmpi ne, %rem3A_909, %ne3A_910 : i32
      %lt3A_912 = arith.constant 0 : i32
      %lt3A_913 = arith.cmpi slt, %rem3A_909, %lt3A_912 : i32
      %lt3A_914 = arith.constant 0 : i32
      %lt3A_915 = arith.cmpi slt, %select_n3A_908, %lt3A_914 : i32
      %ne3A_916 = arith.xori %lt3A_913, %lt3A_915 : i1
      %and3A_917 = arith.andi %ne3A_916, %ne3A_911 : i1
      %add3A_918 = arith.addi %rem3A_909, %select_n3A_908 : i32
      %select_n3A_919 = arith.select %and3A_917, %add3A_918, %rem3A_909 : i32
      %mul3A_920 = arith.constant 256 : i32
      %mul3A_921 = arith.muli %add3A_901, %mul3A_920 : i32
      %dma_start3A_922 = arith.constant 3 : i32
      %dma_start3A_923 = arith.constant 3 : i32
      %dma_start3A_924 = tpu.memref_slice %arg12[%select_n3A_919] : memref<2x!tpu.dma_semaphore, #tpu.memory_space<semaphore_mem>> -> memref<1x!tpu.dma_semaphore, #tpu.memory_space<semaphore_mem>>
      %dma_start3A_925 = tpu.memref_squeeze %dma_start3A_924 : memref<1x!tpu.dma_semaphore, #tpu.memory_space<semaphore_mem>> -> memref<!tpu.dma_semaphore, #tpu.memory_space<semaphore_mem>>
      %dma_start3A_926 = arith.constant 0 : i32
      %dma_start3A_927 = arith.constant 0 : i32
      %dma_start3A_928 = tpu.memref_slice %arg10[%select_n3A_919, %dma_start3A_923, %dma_start3A_926, %dma_start3A_927] : memref<2x4x256x1024xf32, #tpu.memory_space<vmem>> -> memref<1x1x256x1024xf32, #tpu.memory_space<vmem>>
      %dma_start3A_929 = tpu.memref_squeeze %dma_start3A_928 : memref<1x1x256x1024xf32, #tpu.memory_space<vmem>> -> memref<256x1024xf32, #tpu.memory_space<vmem>>
      %dma_start3A_930 = arith.constant 0 : i32
      %dma_start3A_931 = tpu.memref_slice %arg2[%mul3A_921, %dma_start3A_922, %dma_start3A_930] : memref<8192x4x1024xf32, #tpu.memory_space<any>> -> memref<256x1x1024xf32, #tpu.memory_space<any>>
      %dma_start3A_932 = tpu.memref_squeeze %dma_start3A_931 : memref<256x1x1024xf32, #tpu.memory_space<any>> -> memref<256x1024xf32, #tpu.memory_space<any>>
      tpu.enqueue_dma source(%dma_start3A_932 : memref<256x1024xf32, #tpu.memory_space<any>>) target(%dma_start3A_929 : memref<256x1024xf32, #tpu.memory_space<vmem>>) target_semaphore(%dma_start3A_925 : memref<!tpu.dma_semaphore, #tpu.memory_space<semaphore_mem>>)
    } else {
    }
    %mul3A = arith.constant 256 : i32
    %mul3A_36 = arith.muli %arg0, %mul3A : i32
    %dma_wait3A = arith.constant 0 : i32
    %dma_wait3A_37 = arith.constant 0 : i32
    %dma_wait3A_38 = tpu.memref_slice %arg12[%select_n3A_7] : memref<2x!tpu.dma_semaphore, #tpu.memory_space<semaphore_mem>> -> memref<1x!tpu.dma_semaphore, #tpu.memory_space<semaphore_mem>>
    %dma_wait3A_39 = tpu.memref_squeeze %dma_wait3A_38 : memref<1x!tpu.dma_semaphore, #tpu.memory_space<semaphore_mem>> -> memref<!tpu.dma_semaphore, #tpu.memory_space<semaphore_mem>>
    %dma_wait3A_40 = arith.constant 0 : i32
    %dma_wait3A_41 = arith.constant 0 : i32
    %dma_wait3A_42 = tpu.memref_slice %arg10[%select_n3A_7, %dma_wait3A_37, %dma_wait3A_40, %dma_wait3A_41] : memref<2x4x256x1024xf32, #tpu.memory_space<vmem>> -> memref<1x1x256x1024xf32, #tpu.memory_space<vmem>>
    %dma_wait3A_43 = tpu.memref_squeeze %dma_wait3A_42 : memref<1x1x256x1024xf32, #tpu.memory_space<vmem>> -> memref<256x1024xf32, #tpu.memory_space<vmem>>
    %dma_wait3A_44 = arith.constant 0 : i32
    %dma_wait3A_45 = tpu.memref_slice %arg2[%mul3A_36, %dma_wait3A, %dma_wait3A_44] : memref<8192x4x1024xf32, #tpu.memory_space<any>> -> memref<256x1x1024xf32, #tpu.memory_space<any>>
    %dma_wait3A_46 = tpu.memref_squeeze %dma_wait3A_45 : memref<256x1x1024xf32, #tpu.memory_space<any>> -> memref<256x1024xf32, #tpu.memory_space<any>>
    tpu.wait_dma2 semaphore(%dma_wait3A_39 : memref<!tpu.dma_semaphore, #tpu.memory_space<semaphore_mem>>) src(%dma_wait3A_46 : memref<256x1024xf32, #tpu.memory_space<any>>) dst(%dma_wait3A_43 : memref<256x1024xf32, #tpu.memory_space<vmem>>)
    %mul3A_47 = arith.constant 256 : i32
    %mul3A_48 = arith.muli %arg0, %mul3A_47 : i32
    %dma_wait3A_49 = arith.constant 1 : i32
    %dma_wait3A_50 = arith.constant 1 : i32
    %dma_wait3A_51 = tpu.memref_slice %arg12[%select_n3A_7] : memref<2x!tpu.dma_semaphore, #tpu.memory_space<semaphore_mem>> -> memref<1x!tpu.dma_semaphore, #tpu.memory_space<semaphore_mem>>
    %dma_wait3A_52 = tpu.memref_squeeze %dma_wait3A_51 : memref<1x!tpu.dma_semaphore, #tpu.memory_space<semaphore_mem>> -> memref<!tpu.dma_semaphore, #tpu.memory_space<semaphore_mem>>
    %dma_wait3A_53 = arith.constant 0 : i32
    %dma_wait3A_54 = arith.constant 0 : i32
    %dma_wait3A_55 = tpu.memref_slice %arg10[%select_n3A_7, %dma_wait3A_50, %dma_wait3A_53, %dma_wait3A_54] : memref<2x4x256x1024xf32, #tpu.memory_space<vmem>> -> memref<1x1x256x1024xf32, #tpu.memory_space<vmem>>
    %dma_wait3A_56 = tpu.memref_squeeze %dma_wait3A_55 : memref<1x1x256x1024xf32, #tpu.memory_space<vmem>> -> memref<256x1024xf32, #tpu.memory_space<vmem>>
    %dma_wait3A_57 = arith.constant 0 : i32
    %dma_wait3A_58 = tpu.memref_slice %arg2[%mul3A_48, %dma_wait3A_49, %dma_wait3A_57] : memref<8192x4x1024xf32, #tpu.memory_space<any>> -> memref<256x1x1024xf32, #tpu.memory_space<any>>
    %dma_wait3A_59 = tpu.memref_squeeze %dma_wait3A_58 : memref<256x1x1024xf32, #tpu.memory_space<any>> -> memref<256x1024xf32, #tpu.memory_space<any>>
    tpu.wait_dma2 semaphore(%dma_wait3A_52 : memref<!tpu.dma_semaphore, #tpu.memory_space<semaphore_mem>>) src(%dma_wait3A_59 : memref<256x1024xf32, #tpu.memory_space<any>>) dst(%dma_wait3A_56 : memref<256x1024xf32, #tpu.memory_space<vmem>>)
    %mul3A_60 = arith.constant 256 : i32
    %mul3A_61 = arith.muli %arg0, %mul3A_60 : i32
    %dma_wait3A_62 = arith.constant 2 : i32
    %dma_wait3A_63 = arith.constant 2 : i32
    %dma_wait3A_64 = tpu.memref_slice %arg12[%select_n3A_7] : memref<2x!tpu.dma_semaphore, #tpu.memory_space<semaphore_mem>> -> memref<1x!tpu.dma_semaphore, #tpu.memory_space<semaphore_mem>>
    %dma_wait3A_65 = tpu.memref_squeeze %dma_wait3A_64 : memref<1x!tpu.dma_semaphore, #tpu.memory_space<semaphore_mem>> -> memref<!tpu.dma_semaphore, #tpu.memory_space<semaphore_mem>>
    %dma_wait3A_66 = arith.constant 0 : i32
    %dma_wait3A_67 = arith.constant 0 : i32
    %dma_wait3A_68 = tpu.memref_slice %arg10[%select_n3A_7, %dma_wait3A_63, %dma_wait3A_66, %dma_wait3A_67] : memref<2x4x256x1024xf32, #tpu.memory_space<vmem>> -> memref<1x1x256x1024xf32, #tpu.memory_space<vmem>>
    %dma_wait3A_69 = tpu.memref_squeeze %dma_wait3A_68 : memref<1x1x256x1024xf32, #tpu.memory_space<vmem>> -> memref<256x1024xf32, #tpu.memory_space<vmem>>
    %dma_wait3A_70 = arith.constant 0 : i32
    %dma_wait3A_71 = tpu.memref_slice %arg2[%mul3A_61, %dma_wait3A_62, %dma_wait3A_70] : memref<8192x4x1024xf32, #tpu.memory_space<any>> -> memref<256x1x1024xf32, #tpu.memory_space<any>>
    %dma_wait3A_72 = tpu.memref_squeeze %dma_wait3A_71 : memref<256x1x1024xf32, #tpu.memory_space<any>> -> memref<256x1024xf32, #tpu.memory_space<any>>
    tpu.wait_dma2 semaphore(%dma_wait3A_65 : memref<!tpu.dma_semaphore, #tpu.memory_space<semaphore_mem>>) src(%dma_wait3A_72 : memref<256x1024xf32, #tpu.memory_space<any>>) dst(%dma_wait3A_69 : memref<256x1024xf32, #tpu.memory_space<vmem>>)
    %mul3A_73 = arith.constant 256 : i32
    %mul3A_74 = arith.muli %arg0, %mul3A_73 : i32
    %dma_wait3A_75 = arith.constant 3 : i32
    %dma_wait3A_76 = arith.constant 3 : i32
    %dma_wait3A_77 = tpu.memref_slice %arg12[%select_n3A_7] : memref<2x!tpu.dma_semaphore, #tpu.memory_space<semaphore_mem>> -> memref<1x!tpu.dma_semaphore, #tpu.memory_space<semaphore_mem>>
    %dma_wait3A_78 = tpu.memref_squeeze %dma_wait3A_77 : memref<1x!tpu.dma_semaphore, #tpu.memory_space<semaphore_mem>> -> memref<!tpu.dma_semaphore, #tpu.memory_space<semaphore_mem>>
    %dma_wait3A_79 = arith.constant 0 : i32
    %dma_wait3A_80 = arith.constant 0 : i32
    %dma_wait3A_81 = tpu.memref_slice %arg10[%select_n3A_7, %dma_wait3A_76, %dma_wait3A_79, %dma_wait3A_80] : memref<2x4x256x1024xf32, #tpu.memory_space<vmem>> -> memref<1x1x256x1024xf32, #tpu.memory_space<vmem>>
    %dma_wait3A_82 = tpu.memref_squeeze %dma_wait3A_81 : memref<1x1x256x1024xf32, #tpu.memory_space<vmem>> -> memref<256x1024xf32, #tpu.memory_space<vmem>>
    %dma_wait3A_83 = arith.constant 0 : i32
    %dma_wait3A_84 = tpu.memref_slice %arg2[%mul3A_74, %dma_wait3A_75, %dma_wait3A_83] : memref<8192x4x1024xf32, #tpu.memory_space<any>> -> memref<256x1x1024xf32, #tpu.memory_space<any>>
    %dma_wait3A_85 = tpu.memref_squeeze %dma_wait3A_84 : memref<256x1x1024xf32, #tpu.memory_space<any>> -> memref<256x1024xf32, #tpu.memory_space<any>>
    tpu.wait_dma2 semaphore(%dma_wait3A_78 : memref<!tpu.dma_semaphore, #tpu.memory_space<semaphore_mem>>) src(%dma_wait3A_85 : memref<256x1024xf32, #tpu.memory_space<any>>) dst(%dma_wait3A_82 : memref<256x1024xf32, #tpu.memory_space<vmem>>)
    %ge3A = arith.constant 2 : i32
    %ge3A_86 = arith.cmpi sge, %arg0, %ge3A : i32
    %convert_element_type3A_87 = arith.extui %ge3A_86 : i1 to i32
    %cond3A_88 = arith.constant 0 : i32
    %cond3A_89 = arith.cmpi ne, %convert_element_type3A_87, %cond3A_88 : i32
    scf.if %cond3A_89 {
      %sub3A = arith.constant 2 : i32
      %sub3A_801 = arith.subi %arg0, %sub3A : i32
      %mul3A_802 = arith.constant 256 : i32
      %mul3A_803 = arith.muli %sub3A_801, %mul3A_802 : i32
      %dma_wait3A_804 = arith.constant 0 : i32
      %dma_wait3A_805 = arith.constant 0 : i32
      %dma_wait3A_806 = tpu.memref_slice %arg13[%select_n3A_7] : memref<2x!tpu.dma_semaphore, #tpu.memory_space<semaphore_mem>> -> memref<1x!tpu.dma_semaphore, #tpu.memory_space<semaphore_mem>>
      %dma_wait3A_807 = tpu.memref_squeeze %dma_wait3A_806 : memref<1x!tpu.dma_semaphore, #tpu.memory_space<semaphore_mem>> -> memref<!tpu.dma_semaphore, #tpu.memory_space<semaphore_mem>>
      %dma_wait3A_808 = arith.constant 0 : i32
      %dma_wait3A_809 = tpu.memref_slice %arg8[%mul3A_803, %dma_wait3A_805, %dma_wait3A_808] : memref<8192x4x1024xf32, #tpu.memory_space<any>> -> memref<256x1x1024xf32, #tpu.memory_space<any>>
      %dma_wait3A_810 = tpu.memref_squeeze %dma_wait3A_809 : memref<256x1x1024xf32, #tpu.memory_space<any>> -> memref<256x1024xf32, #tpu.memory_space<any>>
      %dma_wait3A_811 = arith.constant 0 : i32
      %dma_wait3A_812 = arith.constant 0 : i32
      %dma_wait3A_813 = tpu.memref_slice %arg11[%select_n3A_7, %dma_wait3A_804, %dma_wait3A_811, %dma_wait3A_812] : memref<2x4x256x1024xf32, #tpu.memory_space<vmem>> -> memref<1x1x256x1024xf32, #tpu.memory_space<vmem>>
      %dma_wait3A_814 = tpu.memref_squeeze %dma_wait3A_813 : memref<1x1x256x1024xf32, #tpu.memory_space<vmem>> -> memref<256x1024xf32, #tpu.memory_space<vmem>>
      tpu.wait_dma2 semaphore(%dma_wait3A_807 : memref<!tpu.dma_semaphore, #tpu.memory_space<semaphore_mem>>) src(%dma_wait3A_814 : memref<256x1024xf32, #tpu.memory_space<vmem>>) dst(%dma_wait3A_810 : memref<256x1024xf32, #tpu.memory_space<any>>)
      %sub3A_815 = arith.constant 2 : i32
      %sub3A_816 = arith.subi %arg0, %sub3A_815 : i32
      %mul3A_817 = arith.constant 256 : i32
      %mul3A_818 = arith.muli %sub3A_816, %mul3A_817 : i32
      %dma_wait3A_819 = arith.constant 1 : i32
      %dma_wait3A_820 = arith.constant 1 : i32
      %dma_wait3A_821 = tpu.memref_slice %arg13[%select_n3A_7] : memref<2x!tpu.dma_semaphore, #tpu.memory_space<semaphore_mem>> -> memref<1x!tpu.dma_semaphore, #tpu.memory_space<semaphore_mem>>
      %dma_wait3A_822 = tpu.memref_squeeze %dma_wait3A_821 : memref<1x!tpu.dma_semaphore, #tpu.memory_space<semaphore_mem>> -> memref<!tpu.dma_semaphore, #tpu.memory_space<semaphore_mem>>
      %dma_wait3A_823 = arith.constant 0 : i32
      %dma_wait3A_824 = tpu.memref_slice %arg8[%mul3A_818, %dma_wait3A_820, %dma_wait3A_823] : memref<8192x4x1024xf32, #tpu.memory_space<any>> -> memref<256x1x1024xf32, #tpu.memory_space<any>>
      %dma_wait3A_825 = tpu.memref_squeeze %dma_wait3A_824 : memref<256x1x1024xf32, #tpu.memory_space<any>> -> memref<256x1024xf32, #tpu.memory_space<any>>
      %dma_wait3A_826 = arith.constant 0 : i32
      %dma_wait3A_827 = arith.constant 0 : i32
      %dma_wait3A_828 = tpu.memref_slice %arg11[%select_n3A_7, %dma_wait3A_819, %dma_wait3A_826, %dma_wait3A_827] : memref<2x4x256x1024xf32, #tpu.memory_space<vmem>> -> memref<1x1x256x1024xf32, #tpu.memory_space<vmem>>
      %dma_wait3A_829 = tpu.memref_squeeze %dma_wait3A_828 : memref<1x1x256x1024xf32, #tpu.memory_space<vmem>> -> memref<256x1024xf32, #tpu.memory_space<vmem>>
      tpu.wait_dma2 semaphore(%dma_wait3A_822 : memref<!tpu.dma_semaphore, #tpu.memory_space<semaphore_mem>>) src(%dma_wait3A_829 : memref<256x1024xf32, #tpu.memory_space<vmem>>) dst(%dma_wait3A_825 : memref<256x1024xf32, #tpu.memory_space<any>>)
      %sub3A_830 = arith.constant 2 : i32
      %sub3A_831 = arith.subi %arg0, %sub3A_830 : i32
      %mul3A_832 = arith.constant 256 : i32
      %mul3A_833 = arith.muli %sub3A_831, %mul3A_832 : i32
      %dma_wait3A_834 = arith.constant 2 : i32
      %dma_wait3A_835 = arith.constant 2 : i32
      %dma_wait3A_836 = tpu.memref_slice %arg13[%select_n3A_7] : memref<2x!tpu.dma_semaphore, #tpu.memory_space<semaphore_mem>> -> memref<1x!tpu.dma_semaphore, #tpu.memory_space<semaphore_mem>>
      %dma_wait3A_837 = tpu.memref_squeeze %dma_wait3A_836 : memref<1x!tpu.dma_semaphore, #tpu.memory_space<semaphore_mem>> -> memref<!tpu.dma_semaphore, #tpu.memory_space<semaphore_mem>>
      %dma_wait3A_838 = arith.constant 0 : i32
      %dma_wait3A_839 = tpu.memref_slice %arg8[%mul3A_833, %dma_wait3A_835, %dma_wait3A_838] : memref<8192x4x1024xf32, #tpu.memory_space<any>> -> memref<256x1x1024xf32, #tpu.memory_space<any>>
      %dma_wait3A_840 = tpu.memref_squeeze %dma_wait3A_839 : memref<256x1x1024xf32, #tpu.memory_space<any>> -> memref<256x1024xf32, #tpu.memory_space<any>>
      %dma_wait3A_841 = arith.constant 0 : i32
      %dma_wait3A_842 = arith.constant 0 : i32
      %dma_wait3A_843 = tpu.memref_slice %arg11[%select_n3A_7, %dma_wait3A_834, %dma_wait3A_841, %dma_wait3A_842] : memref<2x4x256x1024xf32, #tpu.memory_space<vmem>> -> memref<1x1x256x1024xf32, #tpu.memory_space<vmem>>
      %dma_wait3A_844 = tpu.memref_squeeze %dma_wait3A_843 : memref<1x1x256x1024xf32, #tpu.memory_space<vmem>> -> memref<256x1024xf32, #tpu.memory_space<vmem>>
      tpu.wait_dma2 semaphore(%dma_wait3A_837 : memref<!tpu.dma_semaphore, #tpu.memory_space<semaphore_mem>>) src(%dma_wait3A_844 : memref<256x1024xf32, #tpu.memory_space<vmem>>) dst(%dma_wait3A_840 : memref<256x1024xf32, #tpu.memory_space<any>>)
      %sub3A_845 = arith.constant 2 : i32
      %sub3A_846 = arith.subi %arg0, %sub3A_845 : i32
      %mul3A_847 = arith.constant 256 : i32
      %mul3A_848 = arith.muli %sub3A_846, %mul3A_847 : i32
      %dma_wait3A_849 = arith.constant 3 : i32
      %dma_wait3A_850 = arith.constant 3 : i32
      %dma_wait3A_851 = tpu.memref_slice %arg13[%select_n3A_7] : memref<2x!tpu.dma_semaphore, #tpu.memory_space<semaphore_mem>> -> memref<1x!tpu.dma_semaphore, #tpu.memory_space<semaphore_mem>>
      %dma_wait3A_852 = tpu.memref_squeeze %dma_wait3A_851 : memref<1x!tpu.dma_semaphore, #tpu.memory_space<semaphore_mem>> -> memref<!tpu.dma_semaphore, #tpu.memory_space<semaphore_mem>>
      %dma_wait3A_853 = arith.constant 0 : i32
      %dma_wait3A_854 = tpu.memref_slice %arg8[%mul3A_848, %dma_wait3A_850, %dma_wait3A_853] : memref<8192x4x1024xf32, #tpu.memory_space<any>> -> memref<256x1x1024xf32, #tpu.memory_space<any>>
      %dma_wait3A_855 = tpu.memref_squeeze %dma_wait3A_854 : memref<256x1x1024xf32, #tpu.memory_space<any>> -> memref<256x1024xf32, #tpu.memory_space<any>>
      %dma_wait3A_856 = arith.constant 0 : i32
      %dma_wait3A_857 = arith.constant 0 : i32
      %dma_wait3A_858 = tpu.memref_slice %arg11[%select_n3A_7, %dma_wait3A_849, %dma_wait3A_856, %dma_wait3A_857] : memref<2x4x256x1024xf32, #tpu.memory_space<vmem>> -> memref<1x1x256x1024xf32, #tpu.memory_space<vmem>>
      %dma_wait3A_859 = tpu.memref_squeeze %dma_wait3A_858 : memref<1x1x256x1024xf32, #tpu.memory_space<vmem>> -> memref<256x1024xf32, #tpu.memory_space<vmem>>
      tpu.wait_dma2 semaphore(%dma_wait3A_852 : memref<!tpu.dma_semaphore, #tpu.memory_space<semaphore_mem>>) src(%dma_wait3A_859 : memref<256x1024xf32, #tpu.memory_space<vmem>>) dst(%dma_wait3A_855 : memref<256x1024xf32, #tpu.memory_space<any>>)
    } else {
    }
    %get3A = arith.constant 0 : index
    %get3A_90 = arith.constant 0 : index
    %get3A_91 = vector.load %arg1[%get3A, %get3A_90] : memref<256x1024xf32, #tpu.memory_space<vmem>>, vector<256x1024xf32>
    %convert_element_type3A_92 = arith.truncf %get3A_91 : vector<256x1024xf32> to vector<256x1024xbf16>
    %get3A_93 = arith.constant 0 : index
    %get3A_94 = arith.constant 0 : index
    %get3A_95 = vector.load %arg3[%get3A_93, %get3A_94] : memref<5120x1024xbf16, #tpu.memory_space<vmem>>, vector<5120x1024xbf16>
    %dot_general3A = arith.constant dense<0.000000e+00> : vector<256x5120xf32>
    %dot_general3A_96 = tpu.matmul %convert_element_type3A_92, %get3A_95, %dot_general3A {dimension_numbers = #tpu.dot_dimension_numbers<[1], [1], [0], [0], [0, 0, 1, 0], [], []>, transpose_lhs_hint = false} : vector<256x1024xbf16>, vector<5120x1024xbf16>, vector<256x5120xf32> -> vector<256x5120xf32>
    %slice3A = vector.extract_strided_slice %dot_general3A_96 {offsets = [0, 0], sizes = [256, 1024], strides = [1, 1]} : vector<256x5120xf32> to vector<256x1024xf32>
    %mul3A_97 = arith.mulf %slice3A, %slice3A : vector<256x1024xf32>
    %reduce_sum3A = arith.constant dense<0.000000e+00> : vector<256xf32>
    %reduce_sum3A_98 = vector.multi_reduction <add>, %mul3A_97, %reduce_sum3A [1] : vector<256x1024xf32> to vector<256xf32>
    %broadcast_in_dim3A = vector.shape_cast %reduce_sum3A_98 : vector<256xf32> to vector<256x1xf32>
    %div3A = arith.constant 1.024000e+03 : f32
    %div3A_99 = vector.broadcast %div3A : f32 to vector<256x1xf32>
    %div3A_100 = arith.divf %broadcast_in_dim3A, %div3A_99 : vector<256x1xf32>
    %slice3A_101 = vector.extract_strided_slice %dot_general3A_96 {offsets = [0, 1024], sizes = [256, 1024], strides = [1, 1]} : vector<256x5120xf32> to vector<256x1024xf32>
    %get3A_102 = arith.index_cast %select_n3A_7 : i32 to index
    %get3A_103 = arith.constant 0 : index
    %get3A_104 = arith.constant 0 : index
    %get3A_105 = arith.constant 0 : index
    %get3A_106 = vector.load %arg10[%get3A_102, %get3A_103, %get3A_104, %get3A_105] : memref<2x4x256x1024xf32, #tpu.memory_space<vmem>>, vector<1x1x256x1024xf32>
    %get3A_107 = vector.shape_cast %get3A_106 : vector<1x1x256x1024xf32> to vector<256x1024xf32>
    %mul3A_108 = arith.mulf %slice3A_101, %slice3A_101 : vector<256x1024xf32>
    %reduce_sum3A_109 = arith.constant dense<0.000000e+00> : vector<256xf32>
    %reduce_sum3A_110 = vector.multi_reduction <add>, %mul3A_108, %reduce_sum3A_109 [1] : vector<256x1024xf32> to vector<256xf32>
    %broadcast_in_dim3A_111 = vector.shape_cast %reduce_sum3A_110 : vector<256xf32> to vector<256x1xf32>
    %div3A_112 = arith.constant 1.024000e+03 : f32
    %div3A_113 = vector.broadcast %div3A_112 : f32 to vector<256x1xf32>
    %div3A_114 = arith.divf %broadcast_in_dim3A_111, %div3A_113 : vector<256x1xf32>
    %add3A_115 = arith.constant 1.1920929E-7 : f32
    %add3A_116 = vector.broadcast %add3A_115 : f32 to vector<256x1xf32>
    %add3A_117 = arith.addf %div3A_114, %add3A_116 : vector<256x1xf32>
    %rsqrt3A = math.rsqrt %add3A_117 : vector<256x1xf32>
    %mul3A_118 = arith.mulf %get3A_107, %get3A_107 : vector<256x1024xf32>
    %reduce_sum3A_119 = arith.constant dense<0.000000e+00> : vector<256xf32>
    %reduce_sum3A_120 = vector.multi_reduction <add>, %mul3A_118, %reduce_sum3A_119 [1] : vector<256x1024xf32> to vector<256xf32>
    %broadcast_in_dim3A_121 = vector.shape_cast %reduce_sum3A_120 : vector<256xf32> to vector<256x1xf32>
    %div3A_122 = arith.constant 1.024000e+03 : f32
    %div3A_123 = vector.broadcast %div3A_122 : f32 to vector<256x1xf32>
    %div3A_124 = arith.divf %broadcast_in_dim3A_121, %div3A_123 : vector<256x1xf32>
    %add3A_125 = arith.constant 1.1920929E-7 : f32
    %add3A_126 = vector.broadcast %add3A_125 : f32 to vector<256x1xf32>
    %add3A_127 = arith.addf %div3A_124, %add3A_126 : vector<256x1xf32>
    %rsqrt3A_128 = math.rsqrt %add3A_127 : vector<256x1xf32>
    %mul3A_129 = arith.mulf %slice3A_101, %get3A_107 : vector<256x1024xf32>
    %get3A_130 = arith.constant 0 : index
    %get3A_131 = arith.constant 0 : index
    %get3A_132 = vector.load %arg5[%get3A_130, %get3A_131] : memref<4x1024xf32, #tpu.memory_space<vmem>>, vector<1x1024xf32>
    %get3A_133 = vector.shape_cast %get3A_132 : vector<1x1024xf32> to vector<1024xf32>
    %broadcast_in_dim3A_134 = vector.shape_cast %get3A_133 : vector<1024xf32> to vector<1x1024xf32>
    %mul3A_135 = vector.broadcast %broadcast_in_dim3A_134 : vector<1x1024xf32> to vector<256x1024xf32>
    %mul3A_136 = arith.mulf %mul3A_129, %mul3A_135 : vector<256x1024xf32>
    %reduce_sum3A_137 = arith.constant dense<0.000000e+00> : vector<256xf32>
    %reduce_sum3A_138 = vector.multi_reduction <add>, %mul3A_136, %reduce_sum3A_137 [1] : vector<256x1024xf32> to vector<256xf32>
    %broadcast_in_dim3A_139 = vector.shape_cast %reduce_sum3A_138 : vector<256xf32> to vector<256x1xf32>
    %mul3A_140 = arith.mulf %broadcast_in_dim3A_139, %rsqrt3A : vector<256x1xf32>
    %mul3A_141 = arith.mulf %mul3A_140, %rsqrt3A_128 : vector<256x1xf32>
    %mul3A_142 = arith.constant 3.125000e-02 : f32
    %mul3A_143 = vector.broadcast %mul3A_142 : f32 to vector<256x1xf32>
    %mul3A_144 = arith.mulf %mul3A_141, %mul3A_143 : vector<256x1xf32>
    %abs3A = math.absf %mul3A_144 : vector<256x1xf32>
    %jit3A_145 = arith.constant 9.99999997E-7 : f32
    %max3A = vector.broadcast %jit3A_145 : f32 to vector<256x1xf32>
    %max3A_146 = arith.maximumf %max3A, %abs3A : vector<256x1xf32>
    %sqrt3A = math.sqrt %max3A_146 : vector<256x1xf32>
    %sign3A = tpu.bitcast %mul3A_144 : vector<256x1xf32> -> vector<256x1xi32>
    %sign3A_147 = arith.constant -2147483648 : i32
    %sign3A_148 = vector.broadcast %sign3A_147 : i32 to vector<256x1xi32>
    %sign3A_149 = arith.andi %sign3A, %sign3A_148 : vector<256x1xi32>
    %sign3A_150 = arith.constant 1065353216 : i32
    %sign3A_151 = vector.broadcast %sign3A_150 : i32 to vector<256x1xi32>
    %sign3A_152 = arith.ori %sign3A_151, %sign3A_149 : vector<256x1xi32>
    %sign3A_153 = tpu.bitcast %sign3A_152 : vector<256x1xi32> -> vector<256x1xf32>
    %sign3A_154 = math.absf %mul3A_144 : vector<256x1xf32>
    %sign3A_155 = arith.constant 0.000000e+00 : f32
    %sign3A_156 = vector.broadcast %sign3A_155 : f32 to vector<256x1xf32>
    %sign3A_157 = arith.cmpf ogt, %sign3A_154, %sign3A_156 : vector<256x1xf32>
    %sign3A_158 = arith.select %sign3A_157, %sign3A_153, %mul3A_144 : vector<256x1xi1>, vector<256x1xf32>
    %mul3A_159 = arith.mulf %sqrt3A, %sign3A_158 : vector<256x1xf32>
    %logistic3A = arith.negf %mul3A_159 : vector<256x1xf32>
    %logistic3A_160 = math.exp %logistic3A : vector<256x1xf32>
    %logistic3A_161 = arith.constant 1.000000e+00 : f32
    %logistic3A_162 = vector.broadcast %logistic3A_161 : f32 to vector<256x1xf32>
    %logistic3A_163 = arith.addf %logistic3A_162, %logistic3A_160 : vector<256x1xf32>
    %logistic3A_164 = arith.divf %logistic3A_162, %logistic3A_163 : vector<256x1xf32>
    %mul3A_165 = vector.broadcast %logistic3A_164 : vector<256x1xf32> to vector<256x1024xf32>
    %mul3A_166 = arith.mulf %mul3A_165, %slice3A : vector<256x1024xf32>
    %mul3A_167 = arith.mulf %logistic3A_164, %logistic3A_164 : vector<256x1xf32>
    %mul3A_168 = arith.mulf %mul3A_167, %div3A_100 : vector<256x1xf32>
    %add3A_169 = arith.constant 9.99999974E-6 : f32
    %add3A_170 = vector.broadcast %add3A_169 : f32 to vector<256x1xf32>
    %add3A_171 = arith.addf %mul3A_168, %add3A_170 : vector<256x1xf32>
    %rsqrt3A_172 = math.rsqrt %add3A_171 : vector<256x1xf32>
    %mul3A_173 = vector.broadcast %rsqrt3A_172 : vector<256x1xf32> to vector<256x1024xf32>
    %mul3A_174 = arith.mulf %mul3A_166, %mul3A_173 : vector<256x1024xf32>
    %get3A_175 = arith.constant 0 : index
    %get3A_176 = arith.constant 0 : index
    %get3A_177 = vector.load %arg6[%get3A_175, %get3A_176] : memref<4x1024xf32, #tpu.memory_space<vmem>>, vector<1x1024xf32>
    %get3A_178 = vector.shape_cast %get3A_177 : vector<1x1024xf32> to vector<1024xf32>
    %broadcast_in_dim3A_179 = vector.shape_cast %get3A_178 : vector<1024xf32> to vector<1x1024xf32>
    %mul3A_180 = vector.broadcast %broadcast_in_dim3A_179 : vector<1x1024xf32> to vector<256x1024xf32>
    %mul3A_181 = arith.mulf %mul3A_174, %mul3A_180 : vector<256x1024xf32>
    %get3A_182 = arith.constant 0 : index
    %get3A_183 = arith.constant 0 : index
    %get3A_184 = arith.constant 0 : index
    %get3A_185 = vector.load %arg9[%get3A_182, %get3A_183, %get3A_184] : memref<4x16x1024xf32, #tpu.memory_space<vmem>>, vector<1x16x1024xf32>
    %get3A_186 = vector.shape_cast %get3A_185 : vector<1x16x1024xf32> to vector<16x1024xf32>
    %jit3A_187 = arith.constant 0.000000e+00 : f32
    %broadcast_in_dim3A_188 = vector.broadcast %jit3A_187 : f32 to vector<16x1024xf32>
    %select_n3A_189 = arith.select %eq3A_25, %broadcast_in_dim3A_188, %get3A_186 : vector<16x1024xf32>
    %concatenate3A = tpu.concatenate %select_n3A_189, %mul3A_181 in 0 : vector<16x1024xf32>, vector<256x1024xf32> -> vector<272x1024xf32>
    %convert_element_type3A_190 = arith.truncf %concatenate3A : vector<272x1024xf32> to vector<272x1024xbf16>
    %get3A_191 = arith.constant 0 : index
    %get3A_192 = arith.constant 0 : index
    %get3A_193 = vector.load %arg4[%get3A_191, %get3A_192] : memref<1024x272xbf16, #tpu.memory_space<vmem>>, vector<1024x272xbf16>
    %dot_general3A_194 = arith.constant dense<0.000000e+00> : vector<1024x1024xf32>
    %dot_general3A_195 = tpu.matmul %get3A_193, %convert_element_type3A_190, %dot_general3A_194 {dimension_numbers = #tpu.dot_dimension_numbers<[1], [0], [0], [1], [0, 0, 1, 1], [], []>, transpose_lhs_hint = false} : vector<1024x272xbf16>, vector<272x1024xbf16>, vector<1024x1024xf32> -> vector<1024x1024xf32>
    %broadcast_in_dim3A_196 = arith.constant 0.000000e+00 : f32
    %broadcast_in_dim3A_197 = vector.broadcast %broadcast_in_dim3A_196 : f32 to vector<256x1024xf32>
    %slice3A_198 = vector.extract_strided_slice %dot_general3A_195 {offsets = [0, 0], sizes = [256, 1024], strides = [1, 1]} : vector<1024x1024xf32> to vector<256x1024xf32>
    %get3A_199 = arith.constant 0 : index
    %get3A_200 = arith.constant 0 : index
    %get3A_201 = vector.load %arg7[%get3A_199, %get3A_200] : memref<4x4096xf32, #tpu.memory_space<vmem>>, vector<1x1024xf32>
    %get3A_202 = vector.shape_cast %get3A_201 : vector<1x1024xf32> to vector<1024xf32>
    %broadcast_in_dim3A_203 = vector.shape_cast %get3A_202 : vector<1024xf32> to vector<1x1024xf32>
    %mul3A_204 = vector.broadcast %broadcast_in_dim3A_203 : vector<1x1024xf32> to vector<256x1024xf32>
    %mul3A_205 = arith.mulf %slice3A_198, %mul3A_204 : vector<256x1024xf32>
    %add3A_206 = arith.addf %broadcast_in_dim3A_197, %mul3A_205 : vector<256x1024xf32>
    %slice3A_207 = vector.extract_strided_slice %dot_general3A_195 {offsets = [256, 0], sizes = [256, 1024], strides = [1, 1]} : vector<1024x1024xf32> to vector<256x1024xf32>
    %get3A_208 = arith.constant 1 : index
    %get3A_209 = arith.constant 0 : index
    %get3A_210 = vector.load %arg7[%get3A_208, %get3A_209] : memref<4x4096xf32, #tpu.memory_space<vmem>>, vector<1x1024xf32>
    %get3A_211 = vector.shape_cast %get3A_210 : vector<1x1024xf32> to vector<1024xf32>
    %broadcast_in_dim3A_212 = vector.shape_cast %get3A_211 : vector<1024xf32> to vector<1x1024xf32>
    %mul3A_213 = vector.broadcast %broadcast_in_dim3A_212 : vector<1x1024xf32> to vector<256x1024xf32>
    %mul3A_214 = arith.mulf %slice3A_207, %mul3A_213 : vector<256x1024xf32>
    %add3A_215 = arith.addf %add3A_206, %mul3A_214 : vector<256x1024xf32>
    %slice3A_216 = vector.extract_strided_slice %dot_general3A_195 {offsets = [512, 0], sizes = [256, 1024], strides = [1, 1]} : vector<1024x1024xf32> to vector<256x1024xf32>
    %get3A_217 = arith.constant 2 : index
    %get3A_218 = arith.constant 0 : index
    %get3A_219 = vector.load %arg7[%get3A_217, %get3A_218] : memref<4x4096xf32, #tpu.memory_space<vmem>>, vector<1x1024xf32>
    %get3A_220 = vector.shape_cast %get3A_219 : vector<1x1024xf32> to vector<1024xf32>
    %broadcast_in_dim3A_221 = vector.shape_cast %get3A_220 : vector<1024xf32> to vector<1x1024xf32>
    %mul3A_222 = vector.broadcast %broadcast_in_dim3A_221 : vector<1x1024xf32> to vector<256x1024xf32>
    %mul3A_223 = arith.mulf %slice3A_216, %mul3A_222 : vector<256x1024xf32>
    %add3A_224 = arith.addf %add3A_215, %mul3A_223 : vector<256x1024xf32>
    %slice3A_225 = vector.extract_strided_slice %dot_general3A_195 {offsets = [768, 0], sizes = [256, 1024], strides = [1, 1]} : vector<1024x1024xf32> to vector<256x1024xf32>
    %get3A_226 = arith.constant 3 : index
    %get3A_227 = arith.constant 0 : index
    %get3A_228 = vector.load %arg7[%get3A_226, %get3A_227] : memref<4x4096xf32, #tpu.memory_space<vmem>>, vector<1x1024xf32>
    %get3A_229 = vector.shape_cast %get3A_228 : vector<1x1024xf32> to vector<1024xf32>
    %broadcast_in_dim3A_230 = vector.shape_cast %get3A_229 : vector<1024xf32> to vector<1x1024xf32>
    %mul3A_231 = vector.broadcast %broadcast_in_dim3A_230 : vector<1x1024xf32> to vector<256x1024xf32>
    %mul3A_232 = arith.mulf %slice3A_225, %mul3A_231 : vector<256x1024xf32>
    %add3A_233 = arith.addf %add3A_224, %mul3A_232 : vector<256x1024xf32>
    %logistic3A_234 = arith.negf %add3A_233 : vector<256x1024xf32>
    %logistic3A_235 = math.exp %logistic3A_234 : vector<256x1024xf32>
    %logistic3A_236 = arith.constant 1.000000e+00 : f32
    %logistic3A_237 = vector.broadcast %logistic3A_236 : f32 to vector<256x1024xf32>
    %logistic3A_238 = arith.addf %logistic3A_237, %logistic3A_235 : vector<256x1024xf32>
    %logistic3A_239 = arith.divf %logistic3A_237, %logistic3A_238 : vector<256x1024xf32>
    %mul3A_240 = arith.mulf %add3A_233, %logistic3A_239 : vector<256x1024xf32>
    %slice3A_241 = vector.extract_strided_slice %mul3A_181 {offsets = [240, 0], sizes = [16, 1024], strides = [1, 1]} : vector<256x1024xf32> to vector<16x1024xf32>
    %swap3A = arith.constant 0 : index
    %swap3A_242 = arith.constant 0 : index
    %swap3A_243 = arith.constant 0 : index
    %swap3A_244 = vector.load %arg9[%swap3A, %swap3A_242, %swap3A_243] : memref<4x16x1024xf32, #tpu.memory_space<vmem>>, vector<1x16x1024xf32>
    %swap3A_245 = vector.shape_cast %swap3A_244 : vector<1x16x1024xf32> to vector<16x1024xf32>
    %swap3A_246 = vector.shape_cast %slice3A_241 : vector<16x1024xf32> to vector<1x16x1024xf32>
    tpu.vector_store %arg9[%swap3A, %swap3A_242, %swap3A_243], %swap3A_246 {strides = array<i32>} : memref<4x16x1024xf32, #tpu.memory_space<vmem>>, vector<1x16x1024xf32>,
    %add3A_247 = arith.addf %get3A_107, %mul3A_240 : vector<256x1024xf32>
    %add3A_248 = arith.addf %add3A_247, %mul3A_166 : vector<256x1024xf32>
    %swap3A_249 = arith.index_cast %select_n3A_7 : i32 to index
    %swap3A_250 = arith.constant 0 : index
    %swap3A_251 = arith.constant 0 : index
    %swap3A_252 = arith.constant 0 : index
    %swap3A_253 = vector.load %arg11[%swap3A_249, %swap3A_250, %swap3A_251, %swap3A_252] : memref<2x4x256x1024xf32, #tpu.memory_space<vmem>>, vector<1x1x256x1024xf32>
    %swap3A_254 = vector.shape_cast %swap3A_253 : vector<1x1x256x1024xf32> to vector<256x1024xf32>
    %swap3A_255 = vector.shape_cast %add3A_248 : vector<256x1024xf32> to vector<1x1x256x1024xf32>
    tpu.vector_store %arg11[%swap3A_249, %swap3A_250, %swap3A_251, %swap3A_252], %swap3A_255 {strides = array<i32>} : memref<2x4x256x1024xf32, #tpu.memory_space<vmem>>, vector<1x1x256x1024xf32>,
    %slice3A_256 = vector.extract_strided_slice %dot_general3A_96 {offsets = [0, 2048], sizes = [256, 1024], strides = [1, 1]} : vector<256x5120xf32> to vector<256x1024xf32>
    %get3A_257 = arith.index_cast %select_n3A_7 : i32 to index
    %get3A_258 = arith.constant 1 : index
    %get3A_259 = arith.constant 0 : index
    %get3A_260 = arith.constant 0 : index
    %get3A_261 = vector.load %arg10[%get3A_257, %get3A_258, %get3A_259, %get3A_260] : memref<2x4x256x1024xf32, #tpu.memory_space<vmem>>, vector<1x1x256x1024xf32>
    %get3A_262 = vector.shape_cast %get3A_261 : vector<1x1x256x1024xf32> to vector<256x1024xf32>
    %mul3A_263 = arith.mulf %slice3A_256, %slice3A_256 : vector<256x1024xf32>
    %reduce_sum3A_264 = arith.constant dense<0.000000e+00> : vector<256xf32>
    %reduce_sum3A_265 = vector.multi_reduction <add>, %mul3A_263, %reduce_sum3A_264 [1] : vector<256x1024xf32> to vector<256xf32>
    %broadcast_in_dim3A_266 = vector.shape_cast %reduce_sum3A_265 : vector<256xf32> to vector<256x1xf32>
    %div3A_267 = arith.constant 1.024000e+03 : f32
    %div3A_268 = vector.broadcast %div3A_267 : f32 to vector<256x1xf32>
    %div3A_269 = arith.divf %broadcast_in_dim3A_266, %div3A_268 : vector<256x1xf32>
    %add3A_270 = arith.constant 1.1920929E-7 : f32
    %add3A_271 = vector.broadcast %add3A_270 : f32 to vector<256x1xf32>
    %add3A_272 = arith.addf %div3A_269, %add3A_271 : vector<256x1xf32>
    %rsqrt3A_273 = math.rsqrt %add3A_272 : vector<256x1xf32>
    %mul3A_274 = arith.mulf %get3A_262, %get3A_262 : vector<256x1024xf32>
    %reduce_sum3A_275 = arith.constant dense<0.000000e+00> : vector<256xf32>
    %reduce_sum3A_276 = vector.multi_reduction <add>, %mul3A_274, %reduce_sum3A_275 [1] : vector<256x1024xf32> to vector<256xf32>
    %broadcast_in_dim3A_277 = vector.shape_cast %reduce_sum3A_276 : vector<256xf32> to vector<256x1xf32>
    %div3A_278 = arith.constant 1.024000e+03 : f32
    %div3A_279 = vector.broadcast %div3A_278 : f32 to vector<256x1xf32>
    %div3A_280 = arith.divf %broadcast_in_dim3A_277, %div3A_279 : vector<256x1xf32>
    %add3A_281 = arith.constant 1.1920929E-7 : f32
    %add3A_282 = vector.broadcast %add3A_281 : f32 to vector<256x1xf32>
    %add3A_283 = arith.addf %div3A_280, %add3A_282 : vector<256x1xf32>
    %rsqrt3A_284 = math.rsqrt %add3A_283 : vector<256x1xf32>
    %mul3A_285 = arith.mulf %slice3A_256, %get3A_262 : vector<256x1024xf32>
    %get3A_286 = arith.constant 1 : index
    %get3A_287 = arith.constant 0 : index
    %get3A_288 = vector.load %arg5[%get3A_286, %get3A_287] : memref<4x1024xf32, #tpu.memory_space<vmem>>, vector<1x1024xf32>
    %get3A_289 = vector.shape_cast %get3A_288 : vector<1x1024xf32> to vector<1024xf32>
    %broadcast_in_dim3A_290 = vector.shape_cast %get3A_289 : vector<1024xf32> to vector<1x1024xf32>
    %mul3A_291 = vector.broadcast %broadcast_in_dim3A_290 : vector<1x1024xf32> to vector<256x1024xf32>
    %mul3A_292 = arith.mulf %mul3A_285, %mul3A_291 : vector<256x1024xf32>
    %reduce_sum3A_293 = arith.constant dense<0.000000e+00> : vector<256xf32>
    %reduce_sum3A_294 = vector.multi_reduction <add>, %mul3A_292, %reduce_sum3A_293 [1] : vector<256x1024xf32> to vector<256xf32>
    %broadcast_in_dim3A_295 = vector.shape_cast %reduce_sum3A_294 : vector<256xf32> to vector<256x1xf32>
    %mul3A_296 = arith.mulf %broadcast_in_dim3A_295, %rsqrt3A_273 : vector<256x1xf32>
    %mul3A_297 = arith.mulf %mul3A_296, %rsqrt3A_284 : vector<256x1xf32>
    %mul3A_298 = arith.constant 3.125000e-02 : f32
    %mul3A_299 = vector.broadcast %mul3A_298 : f32 to vector<256x1xf32>
    %mul3A_300 = arith.mulf %mul3A_297, %mul3A_299 : vector<256x1xf32>
    %abs3A_301 = math.absf %mul3A_300 : vector<256x1xf32>
    %jit3A_302 = arith.constant 9.99999997E-7 : f32
    %max3A_303 = vector.broadcast %jit3A_302 : f32 to vector<256x1xf32>
    %max3A_304 = arith.maximumf %max3A_303, %abs3A_301 : vector<256x1xf32>
    %sqrt3A_305 = math.sqrt %max3A_304 : vector<256x1xf32>
    %sign3A_306 = tpu.bitcast %mul3A_300 : vector<256x1xf32> -> vector<256x1xi32>
    %sign3A_307 = arith.constant -2147483648 : i32
    %sign3A_308 = vector.broadcast %sign3A_307 : i32 to vector<256x1xi32>
    %sign3A_309 = arith.andi %sign3A_306, %sign3A_308 : vector<256x1xi32>
    %sign3A_310 = arith.constant 1065353216 : i32
    %sign3A_311 = vector.broadcast %sign3A_310 : i32 to vector<256x1xi32>
    %sign3A_312 = arith.ori %sign3A_311, %sign3A_309 : vector<256x1xi32>
    %sign3A_313 = tpu.bitcast %sign3A_312 : vector<256x1xi32> -> vector<256x1xf32>
    %sign3A_314 = math.absf %mul3A_300 : vector<256x1xf32>
    %sign3A_315 = arith.constant 0.000000e+00 : f32
    %sign3A_316 = vector.broadcast %sign3A_315 : f32 to vector<256x1xf32>
    %sign3A_317 = arith.cmpf ogt, %sign3A_314, %sign3A_316 : vector<256x1xf32>
    %sign3A_318 = arith.select %sign3A_317, %sign3A_313, %mul3A_300 : vector<256x1xi1>, vector<256x1xf32>
    %mul3A_319 = arith.mulf %sqrt3A_305, %sign3A_318 : vector<256x1xf32>
    %logistic3A_320 = arith.negf %mul3A_319 : vector<256x1xf32>
    %logistic3A_321 = math.exp %logistic3A_320 : vector<256x1xf32>
    %logistic3A_322 = arith.constant 1.000000e+00 : f32
    %logistic3A_323 = vector.broadcast %logistic3A_322 : f32 to vector<256x1xf32>
    %logistic3A_324 = arith.addf %logistic3A_323, %logistic3A_321 : vector<256x1xf32>
    %logistic3A_325 = arith.divf %logistic3A_323, %logistic3A_324 : vector<256x1xf32>
    %mul3A_326 = vector.broadcast %logistic3A_325 : vector<256x1xf32> to vector<256x1024xf32>
    %mul3A_327 = arith.mulf %mul3A_326, %slice3A : vector<256x1024xf32>
    %mul3A_328 = arith.mulf %logistic3A_325, %logistic3A_325 : vector<256x1xf32>
    %mul3A_329 = arith.mulf %mul3A_328, %div3A_100 : vector<256x1xf32>
    %add3A_330 = arith.constant 9.99999974E-6 : f32
    %add3A_331 = vector.broadcast %add3A_330 : f32 to vector<256x1xf32>
    %add3A_332 = arith.addf %mul3A_329, %add3A_331 : vector<256x1xf32>
    %rsqrt3A_333 = math.rsqrt %add3A_332 : vector<256x1xf32>
    %mul3A_334 = vector.broadcast %rsqrt3A_333 : vector<256x1xf32> to vector<256x1024xf32>
    %mul3A_335 = arith.mulf %mul3A_327, %mul3A_334 : vector<256x1024xf32>
    %get3A_336 = arith.constant 1 : index
    %get3A_337 = arith.constant 0 : index
    %get3A_338 = vector.load %arg6[%get3A_336, %get3A_337] : memref<4x1024xf32, #tpu.memory_space<vmem>>, vector<1x1024xf32>
    %get3A_339 = vector.shape_cast %get3A_338 : vector<1x1024xf32> to vector<1024xf32>
    %broadcast_in_dim3A_340 = vector.shape_cast %get3A_339 : vector<1024xf32> to vector<1x1024xf32>
    %mul3A_341 = vector.broadcast %broadcast_in_dim3A_340 : vector<1x1024xf32> to vector<256x1024xf32>
    %mul3A_342 = arith.mulf %mul3A_335, %mul3A_341 : vector<256x1024xf32>
    %get3A_343 = arith.constant 1 : index
    %get3A_344 = arith.constant 0 : index
    %get3A_345 = arith.constant 0 : index
    %get3A_346 = vector.load %arg9[%get3A_343, %get3A_344, %get3A_345] : memref<4x16x1024xf32, #tpu.memory_space<vmem>>, vector<1x16x1024xf32>
    %get3A_347 = vector.shape_cast %get3A_346 : vector<1x16x1024xf32> to vector<16x1024xf32>
    %jit3A_348 = arith.constant 0.000000e+00 : f32
    %broadcast_in_dim3A_349 = vector.broadcast %jit3A_348 : f32 to vector<16x1024xf32>
    %select_n3A_350 = arith.select %eq3A_25, %broadcast_in_dim3A_349, %get3A_347 : vector<16x1024xf32>
    %concatenate3A_351 = tpu.concatenate %select_n3A_350, %mul3A_342 in 0 : vector<16x1024xf32>, vector<256x1024xf32> -> vector<272x1024xf32>
    %convert_element_type3A_352 = arith.truncf %concatenate3A_351 : vector<272x1024xf32> to vector<272x1024xbf16>
    %get3A_353 = arith.constant 0 : index
    %get3A_354 = arith.constant 0 : index
    %get3A_355 = vector.load %arg4[%get3A_353, %get3A_354] : memref<1024x272xbf16, #tpu.memory_space<vmem>>, vector<1024x272xbf16>
    %dot_general3A_356 = arith.constant dense<0.000000e+00> : vector<1024x1024xf32>
    %dot_general3A_357 = tpu.matmul %get3A_355, %convert_element_type3A_352, %dot_general3A_356 {dimension_numbers = #tpu.dot_dimension_numbers<[1], [0], [0], [1], [0, 0, 1, 1], [], []>, transpose_lhs_hint = false} : vector<1024x272xbf16>, vector<272x1024xbf16>, vector<1024x1024xf32> -> vector<1024x1024xf32>
    %broadcast_in_dim3A_358 = arith.constant 0.000000e+00 : f32
    %broadcast_in_dim3A_359 = vector.broadcast %broadcast_in_dim3A_358 : f32 to vector<256x1024xf32>
    %slice3A_360 = vector.extract_strided_slice %dot_general3A_357 {offsets = [0, 0], sizes = [256, 1024], strides = [1, 1]} : vector<1024x1024xf32> to vector<256x1024xf32>
    %get3A_361 = arith.constant 0 : index
    %get3A_362 = arith.constant 1024 : index
    %get3A_363 = vector.load %arg7[%get3A_361, %get3A_362] : memref<4x4096xf32, #tpu.memory_space<vmem>>, vector<1x1024xf32>
    %get3A_364 = vector.shape_cast %get3A_363 : vector<1x1024xf32> to vector<1024xf32>
    %broadcast_in_dim3A_365 = vector.shape_cast %get3A_364 : vector<1024xf32> to vector<1x1024xf32>
    %mul3A_366 = vector.broadcast %broadcast_in_dim3A_365 : vector<1x1024xf32> to vector<256x1024xf32>
    %mul3A_367 = arith.mulf %slice3A_360, %mul3A_366 : vector<256x1024xf32>
    %add3A_368 = arith.addf %broadcast_in_dim3A_359, %mul3A_367 : vector<256x1024xf32>
    %slice3A_369 = vector.extract_strided_slice %dot_general3A_357 {offsets = [256, 0], sizes = [256, 1024], strides = [1, 1]} : vector<1024x1024xf32> to vector<256x1024xf32>
    %get3A_370 = arith.constant 1 : index
    %get3A_371 = arith.constant 1024 : index
    %get3A_372 = vector.load %arg7[%get3A_370, %get3A_371] : memref<4x4096xf32, #tpu.memory_space<vmem>>, vector<1x1024xf32>
    %get3A_373 = vector.shape_cast %get3A_372 : vector<1x1024xf32> to vector<1024xf32>
    %broadcast_in_dim3A_374 = vector.shape_cast %get3A_373 : vector<1024xf32> to vector<1x1024xf32>
    %mul3A_375 = vector.broadcast %broadcast_in_dim3A_374 : vector<1x1024xf32> to vector<256x1024xf32>
    %mul3A_376 = arith.mulf %slice3A_369, %mul3A_375 : vector<256x1024xf32>
    %add3A_377 = arith.addf %add3A_368, %mul3A_376 : vector<256x1024xf32>
    %slice3A_378 = vector.extract_strided_slice %dot_general3A_357 {offsets = [512, 0], sizes = [256, 1024], strides = [1, 1]} : vector<1024x1024xf32> to vector<256x1024xf32>
    %get3A_379 = arith.constant 2 : index
    %get3A_380 = arith.constant 1024 : index
    %get3A_381 = vector.load %arg7[%get3A_379, %get3A_380] : memref<4x4096xf32, #tpu.memory_space<vmem>>, vector<1x1024xf32>
    %get3A_382 = vector.shape_cast %get3A_381 : vector<1x1024xf32> to vector<1024xf32>
    %broadcast_in_dim3A_383 = vector.shape_cast %get3A_382 : vector<1024xf32> to vector<1x1024xf32>
    %mul3A_384 = vector.broadcast %broadcast_in_dim3A_383 : vector<1x1024xf32> to vector<256x1024xf32>
    %mul3A_385 = arith.mulf %slice3A_378, %mul3A_384 : vector<256x1024xf32>
    %add3A_386 = arith.addf %add3A_377, %mul3A_385 : vector<256x1024xf32>
    %slice3A_387 = vector.extract_strided_slice %dot_general3A_357 {offsets = [768, 0], sizes = [256, 1024], strides = [1, 1]} : vector<1024x1024xf32> to vector<256x1024xf32>
    %get3A_388 = arith.constant 3 : index
    %get3A_389 = arith.constant 1024 : index
    %get3A_390 = vector.load %arg7[%get3A_388, %get3A_389] : memref<4x4096xf32, #tpu.memory_space<vmem>>, vector<1x1024xf32>
    %get3A_391 = vector.shape_cast %get3A_390 : vector<1x1024xf32> to vector<1024xf32>
    %broadcast_in_dim3A_392 = vector.shape_cast %get3A_391 : vector<1024xf32> to vector<1x1024xf32>
    %mul3A_393 = vector.broadcast %broadcast_in_dim3A_392 : vector<1x1024xf32> to vector<256x1024xf32>
    %mul3A_394 = arith.mulf %slice3A_387, %mul3A_393 : vector<256x1024xf32>
    %add3A_395 = arith.addf %add3A_386, %mul3A_394 : vector<256x1024xf32>
    %logistic3A_396 = arith.negf %add3A_395 : vector<256x1024xf32>
    %logistic3A_397 = math.exp %logistic3A_396 : vector<256x1024xf32>
    %logistic3A_398 = arith.constant 1.000000e+00 : f32
    %logistic3A_399 = vector.broadcast %logistic3A_398 : f32 to vector<256x1024xf32>
    %logistic3A_400 = arith.addf %logistic3A_399, %logistic3A_397 : vector<256x1024xf32>
    %logistic3A_401 = arith.divf %logistic3A_399, %logistic3A_400 : vector<256x1024xf32>
    %mul3A_402 = arith.mulf %add3A_395, %logistic3A_401 : vector<256x1024xf32>
    %slice3A_403 = vector.extract_strided_slice %mul3A_342 {offsets = [240, 0], sizes = [16, 1024], strides = [1, 1]} : vector<256x1024xf32> to vector<16x1024xf32>
    %swap3A_404 = arith.constant 1 : index
    %swap3A_405 = arith.constant 0 : index
    %swap3A_406 = arith.constant 0 : index
    %swap3A_407 = vector.load %arg9[%swap3A_404, %swap3A_405, %swap3A_406] : memref<4x16x1024xf32, #tpu.memory_space<vmem>>, vector<1x16x1024xf32>
    %swap3A_408 = vector.shape_cast %swap3A_407 : vector<1x16x1024xf32> to vector<16x1024xf32>
    %swap3A_409 = vector.shape_cast %slice3A_403 : vector<16x1024xf32> to vector<1x16x1024xf32>
    tpu.vector_store %arg9[%swap3A_404, %swap3A_405, %swap3A_406], %swap3A_409 {strides = array<i32>} : memref<4x16x1024xf32, #tpu.memory_space<vmem>>, vector<1x16x1024xf32>,
    %add3A_410 = arith.addf %get3A_262, %mul3A_402 : vector<256x1024xf32>
    %add3A_411 = arith.addf %add3A_410, %mul3A_327 : vector<256x1024xf32>
    %swap3A_412 = arith.index_cast %select_n3A_7 : i32 to index
    %swap3A_413 = arith.constant 1 : index
    %swap3A_414 = arith.constant 0 : index
    %swap3A_415 = arith.constant 0 : index
    %swap3A_416 = vector.load %arg11[%swap3A_412, %swap3A_413, %swap3A_414, %swap3A_415] : memref<2x4x256x1024xf32, #tpu.memory_space<vmem>>, vector<1x1x256x1024xf32>
    %swap3A_417 = vector.shape_cast %swap3A_416 : vector<1x1x256x1024xf32> to vector<256x1024xf32>
    %swap3A_418 = vector.shape_cast %add3A_411 : vector<256x1024xf32> to vector<1x1x256x1024xf32>
    tpu.vector_store %arg11[%swap3A_412, %swap3A_413, %swap3A_414, %swap3A_415], %swap3A_418 {strides = array<i32>} : memref<2x4x256x1024xf32, #tpu.memory_space<vmem>>, vector<1x1x256x1024xf32>,
    %slice3A_419 = vector.extract_strided_slice %dot_general3A_96 {offsets = [0, 3072], sizes = [256, 1024], strides = [1, 1]} : vector<256x5120xf32> to vector<256x1024xf32>
    %get3A_420 = arith.index_cast %select_n3A_7 : i32 to index
    %get3A_421 = arith.constant 2 : index
    %get3A_422 = arith.constant 0 : index
    %get3A_423 = arith.constant 0 : index
    %get3A_424 = vector.load %arg10[%get3A_420, %get3A_421, %get3A_422, %get3A_423] : memref<2x4x256x1024xf32, #tpu.memory_space<vmem>>, vector<1x1x256x1024xf32>
    %get3A_425 = vector.shape_cast %get3A_424 : vector<1x1x256x1024xf32> to vector<256x1024xf32>
    %mul3A_426 = arith.mulf %slice3A_419, %slice3A_419 : vector<256x1024xf32>
    %reduce_sum3A_427 = arith.constant dense<0.000000e+00> : vector<256xf32>
    %reduce_sum3A_428 = vector.multi_reduction <add>, %mul3A_426, %reduce_sum3A_427 [1] : vector<256x1024xf32> to vector<256xf32>
    %broadcast_in_dim3A_429 = vector.shape_cast %reduce_sum3A_428 : vector<256xf32> to vector<256x1xf32>
    %div3A_430 = arith.constant 1.024000e+03 : f32
    %div3A_431 = vector.broadcast %div3A_430 : f32 to vector<256x1xf32>
    %div3A_432 = arith.divf %broadcast_in_dim3A_429, %div3A_431 : vector<256x1xf32>
    %add3A_433 = arith.constant 1.1920929E-7 : f32
    %add3A_434 = vector.broadcast %add3A_433 : f32 to vector<256x1xf32>
    %add3A_435 = arith.addf %div3A_432, %add3A_434 : vector<256x1xf32>
    %rsqrt3A_436 = math.rsqrt %add3A_435 : vector<256x1xf32>
    %mul3A_437 = arith.mulf %get3A_425, %get3A_425 : vector<256x1024xf32>
    %reduce_sum3A_438 = arith.constant dense<0.000000e+00> : vector<256xf32>
    %reduce_sum3A_439 = vector.multi_reduction <add>, %mul3A_437, %reduce_sum3A_438 [1] : vector<256x1024xf32> to vector<256xf32>
    %broadcast_in_dim3A_440 = vector.shape_cast %reduce_sum3A_439 : vector<256xf32> to vector<256x1xf32>
    %div3A_441 = arith.constant 1.024000e+03 : f32
    %div3A_442 = vector.broadcast %div3A_441 : f32 to vector<256x1xf32>
    %div3A_443 = arith.divf %broadcast_in_dim3A_440, %div3A_442 : vector<256x1xf32>
    %add3A_444 = arith.constant 1.1920929E-7 : f32
    %add3A_445 = vector.broadcast %add3A_444 : f32 to vector<256x1xf32>
    %add3A_446 = arith.addf %div3A_443, %add3A_445 : vector<256x1xf32>
    %rsqrt3A_447 = math.rsqrt %add3A_446 : vector<256x1xf32>
    %mul3A_448 = arith.mulf %slice3A_419, %get3A_425 : vector<256x1024xf32>
    %get3A_449 = arith.constant 2 : index
    %get3A_450 = arith.constant 0 : index
    %get3A_451 = vector.load %arg5[%get3A_449, %get3A_450] : memref<4x1024xf32, #tpu.memory_space<vmem>>, vector<1x1024xf32>
    %get3A_452 = vector.shape_cast %get3A_451 : vector<1x1024xf32> to vector<1024xf32>
    %broadcast_in_dim3A_453 = vector.shape_cast %get3A_452 : vector<1024xf32> to vector<1x1024xf32>
    %mul3A_454 = vector.broadcast %broadcast_in_dim3A_453 : vector<1x1024xf32> to vector<256x1024xf32>
    %mul3A_455 = arith.mulf %mul3A_448, %mul3A_454 : vector<256x1024xf32>
    %reduce_sum3A_456 = arith.constant dense<0.000000e+00> : vector<256xf32>
    %reduce_sum3A_457 = vector.multi_reduction <add>, %mul3A_455, %reduce_sum3A_456 [1] : vector<256x1024xf32> to vector<256xf32>
    %broadcast_in_dim3A_458 = vector.shape_cast %reduce_sum3A_457 : vector<256xf32> to vector<256x1xf32>
    %mul3A_459 = arith.mulf %broadcast_in_dim3A_458, %rsqrt3A_436 : vector<256x1xf32>
    %mul3A_460 = arith.mulf %mul3A_459, %rsqrt3A_447 : vector<256x1xf32>
    %mul3A_461 = arith.constant 3.125000e-02 : f32
    %mul3A_462 = vector.broadcast %mul3A_461 : f32 to vector<256x1xf32>
    %mul3A_463 = arith.mulf %mul3A_460, %mul3A_462 : vector<256x1xf32>
    %abs3A_464 = math.absf %mul3A_463 : vector<256x1xf32>
    %jit3A_465 = arith.constant 9.99999997E-7 : f32
    %max3A_466 = vector.broadcast %jit3A_465 : f32 to vector<256x1xf32>
    %max3A_467 = arith.maximumf %max3A_466, %abs3A_464 : vector<256x1xf32>
    %sqrt3A_468 = math.sqrt %max3A_467 : vector<256x1xf32>
    %sign3A_469 = tpu.bitcast %mul3A_463 : vector<256x1xf32> -> vector<256x1xi32>
    %sign3A_470 = arith.constant -2147483648 : i32
    %sign3A_471 = vector.broadcast %sign3A_470 : i32 to vector<256x1xi32>
    %sign3A_472 = arith.andi %sign3A_469, %sign3A_471 : vector<256x1xi32>
    %sign3A_473 = arith.constant 1065353216 : i32
    %sign3A_474 = vector.broadcast %sign3A_473 : i32 to vector<256x1xi32>
    %sign3A_475 = arith.ori %sign3A_474, %sign3A_472 : vector<256x1xi32>
    %sign3A_476 = tpu.bitcast %sign3A_475 : vector<256x1xi32> -> vector<256x1xf32>
    %sign3A_477 = math.absf %mul3A_463 : vector<256x1xf32>
    %sign3A_478 = arith.constant 0.000000e+00 : f32
    %sign3A_479 = vector.broadcast %sign3A_478 : f32 to vector<256x1xf32>
    %sign3A_480 = arith.cmpf ogt, %sign3A_477, %sign3A_479 : vector<256x1xf32>
    %sign3A_481 = arith.select %sign3A_480, %sign3A_476, %mul3A_463 : vector<256x1xi1>, vector<256x1xf32>
    %mul3A_482 = arith.mulf %sqrt3A_468, %sign3A_481 : vector<256x1xf32>
    %logistic3A_483 = arith.negf %mul3A_482 : vector<256x1xf32>
    %logistic3A_484 = math.exp %logistic3A_483 : vector<256x1xf32>
    %logistic3A_485 = arith.constant 1.000000e+00 : f32
    %logistic3A_486 = vector.broadcast %logistic3A_485 : f32 to vector<256x1xf32>
    %logistic3A_487 = arith.addf %logistic3A_486, %logistic3A_484 : vector<256x1xf32>
    %logistic3A_488 = arith.divf %logistic3A_486, %logistic3A_487 : vector<256x1xf32>
    %mul3A_489 = vector.broadcast %logistic3A_488 : vector<256x1xf32> to vector<256x1024xf32>
    %mul3A_490 = arith.mulf %mul3A_489, %slice3A : vector<256x1024xf32>
    %mul3A_491 = arith.mulf %logistic3A_488, %logistic3A_488 : vector<256x1xf32>
    %mul3A_492 = arith.mulf %mul3A_491, %div3A_100 : vector<256x1xf32>
    %add3A_493 = arith.constant 9.99999974E-6 : f32
    %add3A_494 = vector.broadcast %add3A_493 : f32 to vector<256x1xf32>
    %add3A_495 = arith.addf %mul3A_492, %add3A_494 : vector<256x1xf32>
    %rsqrt3A_496 = math.rsqrt %add3A_495 : vector<256x1xf32>
    %mul3A_497 = vector.broadcast %rsqrt3A_496 : vector<256x1xf32> to vector<256x1024xf32>
    %mul3A_498 = arith.mulf %mul3A_490, %mul3A_497 : vector<256x1024xf32>
    %get3A_499 = arith.constant 2 : index
    %get3A_500 = arith.constant 0 : index
    %get3A_501 = vector.load %arg6[%get3A_499, %get3A_500] : memref<4x1024xf32, #tpu.memory_space<vmem>>, vector<1x1024xf32>
    %get3A_502 = vector.shape_cast %get3A_501 : vector<1x1024xf32> to vector<1024xf32>
    %broadcast_in_dim3A_503 = vector.shape_cast %get3A_502 : vector<1024xf32> to vector<1x1024xf32>
    %mul3A_504 = vector.broadcast %broadcast_in_dim3A_503 : vector<1x1024xf32> to vector<256x1024xf32>
    %mul3A_505 = arith.mulf %mul3A_498, %mul3A_504 : vector<256x1024xf32>
    %get3A_506 = arith.constant 2 : index
    %get3A_507 = arith.constant 0 : index
    %get3A_508 = arith.constant 0 : index
    %get3A_509 = vector.load %arg9[%get3A_506, %get3A_507, %get3A_508] : memref<4x16x1024xf32, #tpu.memory_space<vmem>>, vector<1x16x1024xf32>
    %get3A_510 = vector.shape_cast %get3A_509 : vector<1x16x1024xf32> to vector<16x1024xf32>
    %jit3A_511 = arith.constant 0.000000e+00 : f32
    %broadcast_in_dim3A_512 = vector.broadcast %jit3A_511 : f32 to vector<16x1024xf32>
    %select_n3A_513 = arith.select %eq3A_25, %broadcast_in_dim3A_512, %get3A_510 : vector<16x1024xf32>
    %concatenate3A_514 = tpu.concatenate %select_n3A_513, %mul3A_505 in 0 : vector<16x1024xf32>, vector<256x1024xf32> -> vector<272x1024xf32>
    %convert_element_type3A_515 = arith.truncf %concatenate3A_514 : vector<272x1024xf32> to vector<272x1024xbf16>
    %get3A_516 = arith.constant 0 : index
    %get3A_517 = arith.constant 0 : index
    %get3A_518 = vector.load %arg4[%get3A_516, %get3A_517] : memref<1024x272xbf16, #tpu.memory_space<vmem>>, vector<1024x272xbf16>
    %dot_general3A_519 = arith.constant dense<0.000000e+00> : vector<1024x1024xf32>
    %dot_general3A_520 = tpu.matmul %get3A_518, %convert_element_type3A_515, %dot_general3A_519 {dimension_numbers = #tpu.dot_dimension_numbers<[1], [0], [0], [1], [0, 0, 1, 1], [], []>, transpose_lhs_hint = false} : vector<1024x272xbf16>, vector<272x1024xbf16>, vector<1024x1024xf32> -> vector<1024x1024xf32>
    %broadcast_in_dim3A_521 = arith.constant 0.000000e+00 : f32
    %broadcast_in_dim3A_522 = vector.broadcast %broadcast_in_dim3A_521 : f32 to vector<256x1024xf32>
    %slice3A_523 = vector.extract_strided_slice %dot_general3A_520 {offsets = [0, 0], sizes = [256, 1024], strides = [1, 1]} : vector<1024x1024xf32> to vector<256x1024xf32>
    %get3A_524 = arith.constant 0 : index
    %get3A_525 = arith.constant 2048 : index
    %get3A_526 = vector.load %arg7[%get3A_524, %get3A_525] : memref<4x4096xf32, #tpu.memory_space<vmem>>, vector<1x1024xf32>
    %get3A_527 = vector.shape_cast %get3A_526 : vector<1x1024xf32> to vector<1024xf32>
    %broadcast_in_dim3A_528 = vector.shape_cast %get3A_527 : vector<1024xf32> to vector<1x1024xf32>
    %mul3A_529 = vector.broadcast %broadcast_in_dim3A_528 : vector<1x1024xf32> to vector<256x1024xf32>
    %mul3A_530 = arith.mulf %slice3A_523, %mul3A_529 : vector<256x1024xf32>
    %add3A_531 = arith.addf %broadcast_in_dim3A_522, %mul3A_530 : vector<256x1024xf32>
    %slice3A_532 = vector.extract_strided_slice %dot_general3A_520 {offsets = [256, 0], sizes = [256, 1024], strides = [1, 1]} : vector<1024x1024xf32> to vector<256x1024xf32>
    %get3A_533 = arith.constant 1 : index
    %get3A_534 = arith.constant 2048 : index
    %get3A_535 = vector.load %arg7[%get3A_533, %get3A_534] : memref<4x4096xf32, #tpu.memory_space<vmem>>, vector<1x1024xf32>
    %get3A_536 = vector.shape_cast %get3A_535 : vector<1x1024xf32> to vector<1024xf32>
    %broadcast_in_dim3A_537 = vector.shape_cast %get3A_536 : vector<1024xf32> to vector<1x1024xf32>
    %mul3A_538 = vector.broadcast %broadcast_in_dim3A_537 : vector<1x1024xf32> to vector<256x1024xf32>
    %mul3A_539 = arith.mulf %slice3A_532, %mul3A_538 : vector<256x1024xf32>
    %add3A_540 = arith.addf %add3A_531, %mul3A_539 : vector<256x1024xf32>
    %slice3A_541 = vector.extract_strided_slice %dot_general3A_520 {offsets = [512, 0], sizes = [256, 1024], strides = [1, 1]} : vector<1024x1024xf32> to vector<256x1024xf32>
    %get3A_542 = arith.constant 2 : index
    %get3A_543 = arith.constant 2048 : index
    %get3A_544 = vector.load %arg7[%get3A_542, %get3A_543] : memref<4x4096xf32, #tpu.memory_space<vmem>>, vector<1x1024xf32>
    %get3A_545 = vector.shape_cast %get3A_544 : vector<1x1024xf32> to vector<1024xf32>
    %broadcast_in_dim3A_546 = vector.shape_cast %get3A_545 : vector<1024xf32> to vector<1x1024xf32>
    %mul3A_547 = vector.broadcast %broadcast_in_dim3A_546 : vector<1x1024xf32> to vector<256x1024xf32>
    %mul3A_548 = arith.mulf %slice3A_541, %mul3A_547 : vector<256x1024xf32>
    %add3A_549 = arith.addf %add3A_540, %mul3A_548 : vector<256x1024xf32>
    %slice3A_550 = vector.extract_strided_slice %dot_general3A_520 {offsets = [768, 0], sizes = [256, 1024], strides = [1, 1]} : vector<1024x1024xf32> to vector<256x1024xf32>
    %get3A_551 = arith.constant 3 : index
    %get3A_552 = arith.constant 2048 : index
    %get3A_553 = vector.load %arg7[%get3A_551, %get3A_552] : memref<4x4096xf32, #tpu.memory_space<vmem>>, vector<1x1024xf32>
    %get3A_554 = vector.shape_cast %get3A_553 : vector<1x1024xf32> to vector<1024xf32>
    %broadcast_in_dim3A_555 = vector.shape_cast %get3A_554 : vector<1024xf32> to vector<1x1024xf32>
    %mul3A_556 = vector.broadcast %broadcast_in_dim3A_555 : vector<1x1024xf32> to vector<256x1024xf32>
    %mul3A_557 = arith.mulf %slice3A_550, %mul3A_556 : vector<256x1024xf32>
    %add3A_558 = arith.addf %add3A_549, %mul3A_557 : vector<256x1024xf32>
    %logistic3A_559 = arith.negf %add3A_558 : vector<256x1024xf32>
    %logistic3A_560 = math.exp %logistic3A_559 : vector<256x1024xf32>
    %logistic3A_561 = arith.constant 1.000000e+00 : f32
    %logistic3A_562 = vector.broadcast %logistic3A_561 : f32 to vector<256x1024xf32>
    %logistic3A_563 = arith.addf %logistic3A_562, %logistic3A_560 : vector<256x1024xf32>
    %logistic3A_564 = arith.divf %logistic3A_562, %logistic3A_563 : vector<256x1024xf32>
    %mul3A_565 = arith.mulf %add3A_558, %logistic3A_564 : vector<256x1024xf32>
    %slice3A_566 = vector.extract_strided_slice %mul3A_505 {offsets = [240, 0], sizes = [16, 1024], strides = [1, 1]} : vector<256x1024xf32> to vector<16x1024xf32>
    %swap3A_567 = arith.constant 2 : index
    %swap3A_568 = arith.constant 0 : index
    %swap3A_569 = arith.constant 0 : index
    %swap3A_570 = vector.load %arg9[%swap3A_567, %swap3A_568, %swap3A_569] : memref<4x16x1024xf32, #tpu.memory_space<vmem>>, vector<1x16x1024xf32>
    %swap3A_571 = vector.shape_cast %swap3A_570 : vector<1x16x1024xf32> to vector<16x1024xf32>
    %swap3A_572 = vector.shape_cast %slice3A_566 : vector<16x1024xf32> to vector<1x16x1024xf32>
    tpu.vector_store %arg9[%swap3A_567, %swap3A_568, %swap3A_569], %swap3A_572 {strides = array<i32>} : memref<4x16x1024xf32, #tpu.memory_space<vmem>>, vector<1x16x1024xf32>,
    %add3A_573 = arith.addf %get3A_425, %mul3A_565 : vector<256x1024xf32>
    %add3A_574 = arith.addf %add3A_573, %mul3A_490 : vector<256x1024xf32>
    %swap3A_575 = arith.index_cast %select_n3A_7 : i32 to index
    %swap3A_576 = arith.constant 2 : index
    %swap3A_577 = arith.constant 0 : index
    %swap3A_578 = arith.constant 0 : index
    %swap3A_579 = vector.load %arg11[%swap3A_575, %swap3A_576, %swap3A_577, %swap3A_578] : memref<2x4x256x1024xf32, #tpu.memory_space<vmem>>, vector<1x1x256x1024xf32>
    %swap3A_580 = vector.shape_cast %swap3A_579 : vector<1x1x256x1024xf32> to vector<256x1024xf32>
    %swap3A_581 = vector.shape_cast %add3A_574 : vector<256x1024xf32> to vector<1x1x256x1024xf32>
    tpu.vector_store %arg11[%swap3A_575, %swap3A_576, %swap3A_577, %swap3A_578], %swap3A_581 {strides = array<i32>} : memref<2x4x256x1024xf32, #tpu.memory_space<vmem>>, vector<1x1x256x1024xf32>,
    %slice3A_582 = vector.extract_strided_slice %dot_general3A_96 {offsets = [0, 4096], sizes = [256, 1024], strides = [1, 1]} : vector<256x5120xf32> to vector<256x1024xf32>
    %get3A_583 = arith.index_cast %select_n3A_7 : i32 to index
    %get3A_584 = arith.constant 3 : index
    %get3A_585 = arith.constant 0 : index
    %get3A_586 = arith.constant 0 : index
    %get3A_587 = vector.load %arg10[%get3A_583, %get3A_584, %get3A_585, %get3A_586] : memref<2x4x256x1024xf32, #tpu.memory_space<vmem>>, vector<1x1x256x1024xf32>
    %get3A_588 = vector.shape_cast %get3A_587 : vector<1x1x256x1024xf32> to vector<256x1024xf32>
    %mul3A_589 = arith.mulf %slice3A_582, %slice3A_582 : vector<256x1024xf32>
    %reduce_sum3A_590 = arith.constant dense<0.000000e+00> : vector<256xf32>
    %reduce_sum3A_591 = vector.multi_reduction <add>, %mul3A_589, %reduce_sum3A_590 [1] : vector<256x1024xf32> to vector<256xf32>
    %broadcast_in_dim3A_592 = vector.shape_cast %reduce_sum3A_591 : vector<256xf32> to vector<256x1xf32>
    %div3A_593 = arith.constant 1.024000e+03 : f32
    %div3A_594 = vector.broadcast %div3A_593 : f32 to vector<256x1xf32>
    %div3A_595 = arith.divf %broadcast_in_dim3A_592, %div3A_594 : vector<256x1xf32>
    %add3A_596 = arith.constant 1.1920929E-7 : f32
    %add3A_597 = vector.broadcast %add3A_596 : f32 to vector<256x1xf32>
    %add3A_598 = arith.addf %div3A_595, %add3A_597 : vector<256x1xf32>
    %rsqrt3A_599 = math.rsqrt %add3A_598 : vector<256x1xf32>
    %mul3A_600 = arith.mulf %get3A_588, %get3A_588 : vector<256x1024xf32>
    %reduce_sum3A_601 = arith.constant dense<0.000000e+00> : vector<256xf32>
    %reduce_sum3A_602 = vector.multi_reduction <add>, %mul3A_600, %reduce_sum3A_601 [1] : vector<256x1024xf32> to vector<256xf32>
    %broadcast_in_dim3A_603 = vector.shape_cast %reduce_sum3A_602 : vector<256xf32> to vector<256x1xf32>
    %div3A_604 = arith.constant 1.024000e+03 : f32
    %div3A_605 = vector.broadcast %div3A_604 : f32 to vector<256x1xf32>
    %div3A_606 = arith.divf %broadcast_in_dim3A_603, %div3A_605 : vector<256x1xf32>
    %add3A_607 = arith.constant 1.1920929E-7 : f32
    %add3A_608 = vector.broadcast %add3A_607 : f32 to vector<256x1xf32>
    %add3A_609 = arith.addf %div3A_606, %add3A_608 : vector<256x1xf32>
    %rsqrt3A_610 = math.rsqrt %add3A_609 : vector<256x1xf32>
    %mul3A_611 = arith.mulf %slice3A_582, %get3A_588 : vector<256x1024xf32>
    %get3A_612 = arith.constant 3 : index
    %get3A_613 = arith.constant 0 : index
    %get3A_614 = vector.load %arg5[%get3A_612, %get3A_613] : memref<4x1024xf32, #tpu.memory_space<vmem>>, vector<1x1024xf32>
    %get3A_615 = vector.shape_cast %get3A_614 : vector<1x1024xf32> to vector<1024xf32>
    %broadcast_in_dim3A_616 = vector.shape_cast %get3A_615 : vector<1024xf32> to vector<1x1024xf32>
    %mul3A_617 = vector.broadcast %broadcast_in_dim3A_616 : vector<1x1024xf32> to vector<256x1024xf32>
    %mul3A_618 = arith.mulf %mul3A_611, %mul3A_617 : vector<256x1024xf32>
    %reduce_sum3A_619 = arith.constant dense<0.000000e+00> : vector<256xf32>
    %reduce_sum3A_620 = vector.multi_reduction <add>, %mul3A_618, %reduce_sum3A_619 [1] : vector<256x1024xf32> to vector<256xf32>
    %broadcast_in_dim3A_621 = vector.shape_cast %reduce_sum3A_620 : vector<256xf32> to vector<256x1xf32>
    %mul3A_622 = arith.mulf %broadcast_in_dim3A_621, %rsqrt3A_599 : vector<256x1xf32>
    %mul3A_623 = arith.mulf %mul3A_622, %rsqrt3A_610 : vector<256x1xf32>
    %mul3A_624 = arith.constant 3.125000e-02 : f32
    %mul3A_625 = vector.broadcast %mul3A_624 : f32 to vector<256x1xf32>
    %mul3A_626 = arith.mulf %mul3A_623, %mul3A_625 : vector<256x1xf32>
    %abs3A_627 = math.absf %mul3A_626 : vector<256x1xf32>
    %jit3A_628 = arith.constant 9.99999997E-7 : f32
    %max3A_629 = vector.broadcast %jit3A_628 : f32 to vector<256x1xf32>
    %max3A_630 = arith.maximumf %max3A_629, %abs3A_627 : vector<256x1xf32>
    %sqrt3A_631 = math.sqrt %max3A_630 : vector<256x1xf32>
    %sign3A_632 = tpu.bitcast %mul3A_626 : vector<256x1xf32> -> vector<256x1xi32>
    %sign3A_633 = arith.constant -2147483648 : i32
    %sign3A_634 = vector.broadcast %sign3A_633 : i32 to vector<256x1xi32>
    %sign3A_635 = arith.andi %sign3A_632, %sign3A_634 : vector<256x1xi32>
    %sign3A_636 = arith.constant 1065353216 : i32
    %sign3A_637 = vector.broadcast %sign3A_636 : i32 to vector<256x1xi32>
    %sign3A_638 = arith.ori %sign3A_637, %sign3A_635 : vector<256x1xi32>
    %sign3A_639 = tpu.bitcast %sign3A_638 : vector<256x1xi32> -> vector<256x1xf32>
    %sign3A_640 = math.absf %mul3A_626 : vector<256x1xf32>
    %sign3A_641 = arith.constant 0.000000e+00 : f32
    %sign3A_642 = vector.broadcast %sign3A_641 : f32 to vector<256x1xf32>
    %sign3A_643 = arith.cmpf ogt, %sign3A_640, %sign3A_642 : vector<256x1xf32>
    %sign3A_644 = arith.select %sign3A_643, %sign3A_639, %mul3A_626 : vector<256x1xi1>, vector<256x1xf32>
    %mul3A_645 = arith.mulf %sqrt3A_631, %sign3A_644 : vector<256x1xf32>
    %logistic3A_646 = arith.negf %mul3A_645 : vector<256x1xf32>
    %logistic3A_647 = math.exp %logistic3A_646 : vector<256x1xf32>
    %logistic3A_648 = arith.constant 1.000000e+00 : f32
    %logistic3A_649 = vector.broadcast %logistic3A_648 : f32 to vector<256x1xf32>
    %logistic3A_650 = arith.addf %logistic3A_649, %logistic3A_647 : vector<256x1xf32>
    %logistic3A_651 = arith.divf %logistic3A_649, %logistic3A_650 : vector<256x1xf32>
    %mul3A_652 = vector.broadcast %logistic3A_651 : vector<256x1xf32> to vector<256x1024xf32>
    %mul3A_653 = arith.mulf %mul3A_652, %slice3A : vector<256x1024xf32>
    %mul3A_654 = arith.mulf %logistic3A_651, %logistic3A_651 : vector<256x1xf32>
    %mul3A_655 = arith.mulf %mul3A_654, %div3A_100 : vector<256x1xf32>
    %add3A_656 = arith.constant 9.99999974E-6 : f32
    %add3A_657 = vector.broadcast %add3A_656 : f32 to vector<256x1xf32>
    %add3A_658 = arith.addf %mul3A_655, %add3A_657 : vector<256x1xf32>
    %rsqrt3A_659 = math.rsqrt %add3A_658 : vector<256x1xf32>
    %mul3A_660 = vector.broadcast %rsqrt3A_659 : vector<256x1xf32> to vector<256x1024xf32>
    %mul3A_661 = arith.mulf %mul3A_653, %mul3A_660 : vector<256x1024xf32>
    %get3A_662 = arith.constant 3 : index
    %get3A_663 = arith.constant 0 : index
    %get3A_664 = vector.load %arg6[%get3A_662, %get3A_663] : memref<4x1024xf32, #tpu.memory_space<vmem>>, vector<1x1024xf32>
    %get3A_665 = vector.shape_cast %get3A_664 : vector<1x1024xf32> to vector<1024xf32>
    %broadcast_in_dim3A_666 = vector.shape_cast %get3A_665 : vector<1024xf32> to vector<1x1024xf32>
    %mul3A_667 = vector.broadcast %broadcast_in_dim3A_666 : vector<1x1024xf32> to vector<256x1024xf32>
    %mul3A_668 = arith.mulf %mul3A_661, %mul3A_667 : vector<256x1024xf32>
    %get3A_669 = arith.constant 3 : index
    %get3A_670 = arith.constant 0 : index
    %get3A_671 = arith.constant 0 : index
    %get3A_672 = vector.load %arg9[%get3A_669, %get3A_670, %get3A_671] : memref<4x16x1024xf32, #tpu.memory_space<vmem>>, vector<1x16x1024xf32>
    %get3A_673 = vector.shape_cast %get3A_672 : vector<1x16x1024xf32> to vector<16x1024xf32>
    %jit3A_674 = arith.constant 0.000000e+00 : f32
    %broadcast_in_dim3A_675 = vector.broadcast %jit3A_674 : f32 to vector<16x1024xf32>
    %select_n3A_676 = arith.select %eq3A_25, %broadcast_in_dim3A_675, %get3A_673 : vector<16x1024xf32>
    %concatenate3A_677 = tpu.concatenate %select_n3A_676, %mul3A_668 in 0 : vector<16x1024xf32>, vector<256x1024xf32> -> vector<272x1024xf32>
    %convert_element_type3A_678 = arith.truncf %concatenate3A_677 : vector<272x1024xf32> to vector<272x1024xbf16>
    %get3A_679 = arith.constant 0 : index
    %get3A_680 = arith.constant 0 : index
    %get3A_681 = vector.load %arg4[%get3A_679, %get3A_680] : memref<1024x272xbf16, #tpu.memory_space<vmem>>, vector<1024x272xbf16>
    %dot_general3A_682 = arith.constant dense<0.000000e+00> : vector<1024x1024xf32>
    %dot_general3A_683 = tpu.matmul %get3A_681, %convert_element_type3A_678, %dot_general3A_682 {dimension_numbers = #tpu.dot_dimension_numbers<[1], [0], [0], [1], [0, 0, 1, 1], [], []>, transpose_lhs_hint = false} : vector<1024x272xbf16>, vector<272x1024xbf16>, vector<1024x1024xf32> -> vector<1024x1024xf32>
    %broadcast_in_dim3A_684 = arith.constant 0.000000e+00 : f32
    %broadcast_in_dim3A_685 = vector.broadcast %broadcast_in_dim3A_684 : f32 to vector<256x1024xf32>
    %slice3A_686 = vector.extract_strided_slice %dot_general3A_683 {offsets = [0, 0], sizes = [256, 1024], strides = [1, 1]} : vector<1024x1024xf32> to vector<256x1024xf32>
    %get3A_687 = arith.constant 0 : index
    %get3A_688 = arith.constant 3072 : index
    %get3A_689 = vector.load %arg7[%get3A_687, %get3A_688] : memref<4x4096xf32, #tpu.memory_space<vmem>>, vector<1x1024xf32>
    %get3A_690 = vector.shape_cast %get3A_689 : vector<1x1024xf32> to vector<1024xf32>
    %broadcast_in_dim3A_691 = vector.shape_cast %get3A_690 : vector<1024xf32> to vector<1x1024xf32>
    %mul3A_692 = vector.broadcast %broadcast_in_dim3A_691 : vector<1x1024xf32> to vector<256x1024xf32>
    %mul3A_693 = arith.mulf %slice3A_686, %mul3A_692 : vector<256x1024xf32>
    %add3A_694 = arith.addf %broadcast_in_dim3A_685, %mul3A_693 : vector<256x1024xf32>
    %slice3A_695 = vector.extract_strided_slice %dot_general3A_683 {offsets = [256, 0], sizes = [256, 1024], strides = [1, 1]} : vector<1024x1024xf32> to vector<256x1024xf32>
    %get3A_696 = arith.constant 1 : index
    %get3A_697 = arith.constant 3072 : index
    %get3A_698 = vector.load %arg7[%get3A_696, %get3A_697] : memref<4x4096xf32, #tpu.memory_space<vmem>>, vector<1x1024xf32>
    %get3A_699 = vector.shape_cast %get3A_698 : vector<1x1024xf32> to vector<1024xf32>
    %broadcast_in_dim3A_700 = vector.shape_cast %get3A_699 : vector<1024xf32> to vector<1x1024xf32>
    %mul3A_701 = vector.broadcast %broadcast_in_dim3A_700 : vector<1x1024xf32> to vector<256x1024xf32>
    %mul3A_702 = arith.mulf %slice3A_695, %mul3A_701 : vector<256x1024xf32>
    %add3A_703 = arith.addf %add3A_694, %mul3A_702 : vector<256x1024xf32>
    %slice3A_704 = vector.extract_strided_slice %dot_general3A_683 {offsets = [512, 0], sizes = [256, 1024], strides = [1, 1]} : vector<1024x1024xf32> to vector<256x1024xf32>
    %get3A_705 = arith.constant 2 : index
    %get3A_706 = arith.constant 3072 : index
    %get3A_707 = vector.load %arg7[%get3A_705, %get3A_706] : memref<4x4096xf32, #tpu.memory_space<vmem>>, vector<1x1024xf32>
    %get3A_708 = vector.shape_cast %get3A_707 : vector<1x1024xf32> to vector<1024xf32>
    %broadcast_in_dim3A_709 = vector.shape_cast %get3A_708 : vector<1024xf32> to vector<1x1024xf32>
    %mul3A_710 = vector.broadcast %broadcast_in_dim3A_709 : vector<1x1024xf32> to vector<256x1024xf32>
    %mul3A_711 = arith.mulf %slice3A_704, %mul3A_710 : vector<256x1024xf32>
    %add3A_712 = arith.addf %add3A_703, %mul3A_711 : vector<256x1024xf32>
    %slice3A_713 = vector.extract_strided_slice %dot_general3A_683 {offsets = [768, 0], sizes = [256, 1024], strides = [1, 1]} : vector<1024x1024xf32> to vector<256x1024xf32>
    %get3A_714 = arith.constant 3 : index
    %get3A_715 = arith.constant 3072 : index
    %get3A_716 = vector.load %arg7[%get3A_714, %get3A_715] : memref<4x4096xf32, #tpu.memory_space<vmem>>, vector<1x1024xf32>
    %get3A_717 = vector.shape_cast %get3A_716 : vector<1x1024xf32> to vector<1024xf32>
    %broadcast_in_dim3A_718 = vector.shape_cast %get3A_717 : vector<1024xf32> to vector<1x1024xf32>
    %mul3A_719 = vector.broadcast %broadcast_in_dim3A_718 : vector<1x1024xf32> to vector<256x1024xf32>
    %mul3A_720 = arith.mulf %slice3A_713, %mul3A_719 : vector<256x1024xf32>
    %add3A_721 = arith.addf %add3A_712, %mul3A_720 : vector<256x1024xf32>
    %logistic3A_722 = arith.negf %add3A_721 : vector<256x1024xf32>
    %logistic3A_723 = math.exp %logistic3A_722 : vector<256x1024xf32>
    %logistic3A_724 = arith.constant 1.000000e+00 : f32
    %logistic3A_725 = vector.broadcast %logistic3A_724 : f32 to vector<256x1024xf32>
    %logistic3A_726 = arith.addf %logistic3A_725, %logistic3A_723 : vector<256x1024xf32>
    %logistic3A_727 = arith.divf %logistic3A_725, %logistic3A_726 : vector<256x1024xf32>
    %mul3A_728 = arith.mulf %add3A_721, %logistic3A_727 : vector<256x1024xf32>
    %slice3A_729 = vector.extract_strided_slice %mul3A_668 {offsets = [240, 0], sizes = [16, 1024], strides = [1, 1]} : vector<256x1024xf32> to vector<16x1024xf32>
    %swap3A_730 = arith.constant 3 : index
    %swap3A_731 = arith.constant 0 : index
    %swap3A_732 = arith.constant 0 : index
    %swap3A_733 = vector.load %arg9[%swap3A_730, %swap3A_731, %swap3A_732] : memref<4x16x1024xf32, #tpu.memory_space<vmem>>, vector<1x16x1024xf32>
    %swap3A_734 = vector.shape_cast %swap3A_733 : vector<1x16x1024xf32> to vector<16x1024xf32>
    %swap3A_735 = vector.shape_cast %slice3A_729 : vector<16x1024xf32> to vector<1x16x1024xf32>
    tpu.vector_store %arg9[%swap3A_730, %swap3A_731, %swap3A_732], %swap3A_735 {strides = array<i32>} : memref<4x16x1024xf32, #tpu.memory_space<vmem>>, vector<1x16x1024xf32>,
    %add3A_736 = arith.addf %get3A_588, %mul3A_728 : vector<256x1024xf32>
    %add3A_737 = arith.addf %add3A_736, %mul3A_653 : vector<256x1024xf32>
    %swap3A_738 = arith.index_cast %select_n3A_7 : i32 to index
    %swap3A_739 = arith.constant 3 : index
    %swap3A_740 = arith.constant 0 : index
    %swap3A_741 = arith.constant 0 : index
    %swap3A_742 = vector.load %arg11[%swap3A_738, %swap3A_739, %swap3A_740, %swap3A_741] : memref<2x4x256x1024xf32, #tpu.memory_space<vmem>>, vector<1x1x256x1024xf32>
    %swap3A_743 = vector.shape_cast %swap3A_742 : vector<1x1x256x1024xf32> to vector<256x1024xf32>
    %swap3A_744 = vector.shape_cast %add3A_737 : vector<256x1024xf32> to vector<1x1x256x1024xf32>
    tpu.vector_store %arg11[%swap3A_738, %swap3A_739, %swap3A_740, %swap3A_741], %swap3A_744 {strides = array<i32>} : memref<2x4x256x1024xf32, #tpu.memory_space<vmem>>, vector<1x1x256x1024xf32>,
    %mul3A_745 = arith.constant 256 : i32
    %mul3A_746 = arith.muli %arg0, %mul3A_745 : i32
    %dma_start3A = arith.constant 0 : i32
    %dma_start3A_747 = arith.constant 0 : i32
    %dma_start3A_748 = tpu.memref_slice %arg13[%select_n3A_7] : memref<2x!tpu.dma_semaphore, #tpu.memory_space<semaphore_mem>> -> memref<1x!tpu.dma_semaphore, #tpu.memory_space<semaphore_mem>>
    %dma_start3A_749 = tpu.memref_squeeze %dma_start3A_748 : memref<1x!tpu.dma_semaphore, #tpu.memory_space<semaphore_mem>> -> memref<!tpu.dma_semaphore, #tpu.memory_space<semaphore_mem>>
    %dma_start3A_750 = arith.constant 0 : i32
    %dma_start3A_751 = tpu.memref_slice %arg8[%mul3A_746, %dma_start3A_747, %dma_start3A_750] : memref<8192x4x1024xf32, #tpu.memory_space<any>> -> memref<256x1x1024xf32, #tpu.memory_space<any>>
    %dma_start3A_752 = tpu.memref_squeeze %dma_start3A_751 : memref<256x1x1024xf32, #tpu.memory_space<any>> -> memref<256x1024xf32, #tpu.memory_space<any>>
    %dma_start3A_753 = arith.constant 0 : i32
    %dma_start3A_754 = arith.constant 0 : i32
    %dma_start3A_755 = tpu.memref_slice %arg11[%select_n3A_7, %dma_start3A, %dma_start3A_753, %dma_start3A_754] : memref<2x4x256x1024xf32, #tpu.memory_space<vmem>> -> memref<1x1x256x1024xf32, #tpu.memory_space<vmem>>
    %dma_start3A_756 = tpu.memref_squeeze %dma_start3A_755 : memref<1x1x256x1024xf32, #tpu.memory_space<vmem>> -> memref<256x1024xf32, #tpu.memory_space<vmem>>
    tpu.enqueue_dma source(%dma_start3A_756 : memref<256x1024xf32, #tpu.memory_space<vmem>>) target(%dma_start3A_752 : memref<256x1024xf32, #tpu.memory_space<any>>) target_semaphore(%dma_start3A_749 : memref<!tpu.dma_semaphore, #tpu.memory_space<semaphore_mem>>)
    %mul3A_757 = arith.constant 256 : i32
    %mul3A_758 = arith.muli %arg0, %mul3A_757 : i32
    %dma_start3A_759 = arith.constant 1 : i32
    %dma_start3A_760 = arith.constant 1 : i32
    %dma_start3A_761 = tpu.memref_slice %arg13[%select_n3A_7] : memref<2x!tpu.dma_semaphore, #tpu.memory_space<semaphore_mem>> -> memref<1x!tpu.dma_semaphore, #tpu.memory_space<semaphore_mem>>
    %dma_start3A_762 = tpu.memref_squeeze %dma_start3A_761 : memref<1x!tpu.dma_semaphore, #tpu.memory_space<semaphore_mem>> -> memref<!tpu.dma_semaphore, #tpu.memory_space<semaphore_mem>>
    %dma_start3A_763 = arith.constant 0 : i32
    %dma_start3A_764 = tpu.memref_slice %arg8[%mul3A_758, %dma_start3A_760, %dma_start3A_763] : memref<8192x4x1024xf32, #tpu.memory_space<any>> -> memref<256x1x1024xf32, #tpu.memory_space<any>>
    %dma_start3A_765 = tpu.memref_squeeze %dma_start3A_764 : memref<256x1x1024xf32, #tpu.memory_space<any>> -> memref<256x1024xf32, #tpu.memory_space<any>>
    %dma_start3A_766 = arith.constant 0 : i32
    %dma_start3A_767 = arith.constant 0 : i32
    %dma_start3A_768 = tpu.memref_slice %arg11[%select_n3A_7, %dma_start3A_759, %dma_start3A_766, %dma_start3A_767] : memref<2x4x256x1024xf32, #tpu.memory_space<vmem>> -> memref<1x1x256x1024xf32, #tpu.memory_space<vmem>>
    %dma_start3A_769 = tpu.memref_squeeze %dma_start3A_768 : memref<1x1x256x1024xf32, #tpu.memory_space<vmem>> -> memref<256x1024xf32, #tpu.memory_space<vmem>>
    tpu.enqueue_dma source(%dma_start3A_769 : memref<256x1024xf32, #tpu.memory_space<vmem>>) target(%dma_start3A_765 : memref<256x1024xf32, #tpu.memory_space<any>>) target_semaphore(%dma_start3A_762 : memref<!tpu.dma_semaphore, #tpu.memory_space<semaphore_mem>>)
    %mul3A_770 = arith.constant 256 : i32
    %mul3A_771 = arith.muli %arg0, %mul3A_770 : i32
    %dma_start3A_772 = arith.constant 2 : i32
    %dma_start3A_773 = arith.constant 2 : i32
    %dma_start3A_774 = tpu.memref_slice %arg13[%select_n3A_7] : memref<2x!tpu.dma_semaphore, #tpu.memory_space<semaphore_mem>> -> memref<1x!tpu.dma_semaphore, #tpu.memory_space<semaphore_mem>>
    %dma_start3A_775 = tpu.memref_squeeze %dma_start3A_774 : memref<1x!tpu.dma_semaphore, #tpu.memory_space<semaphore_mem>> -> memref<!tpu.dma_semaphore, #tpu.memory_space<semaphore_mem>>
    %dma_start3A_776 = arith.constant 0 : i32
    %dma_start3A_777 = tpu.memref_slice %arg8[%mul3A_771, %dma_start3A_773, %dma_start3A_776] : memref<8192x4x1024xf32, #tpu.memory_space<any>> -> memref<256x1x1024xf32, #tpu.memory_space<any>>
    %dma_start3A_778 = tpu.memref_squeeze %dma_start3A_777 : memref<256x1x1024xf32, #tpu.memory_space<any>> -> memref<256x1024xf32, #tpu.memory_space<any>>
    %dma_start3A_779 = arith.constant 0 : i32
    %dma_start3A_780 = arith.constant 0 : i32
    %dma_start3A_781 = tpu.memref_slice %arg11[%select_n3A_7, %dma_start3A_772, %dma_start3A_779, %dma_start3A_780] : memref<2x4x256x1024xf32, #tpu.memory_space<vmem>> -> memref<1x1x256x1024xf32, #tpu.memory_space<vmem>>
    %dma_start3A_782 = tpu.memref_squeeze %dma_start3A_781 : memref<1x1x256x1024xf32, #tpu.memory_space<vmem>> -> memref<256x1024xf32, #tpu.memory_space<vmem>>
    tpu.enqueue_dma source(%dma_start3A_782 : memref<256x1024xf32, #tpu.memory_space<vmem>>) target(%dma_start3A_778 : memref<256x1024xf32, #tpu.memory_space<any>>) target_semaphore(%dma_start3A_775 : memref<!tpu.dma_semaphore, #tpu.memory_space<semaphore_mem>>)
    %mul3A_783 = arith.constant 256 : i32
    %mul3A_784 = arith.muli %arg0, %mul3A_783 : i32
    %dma_start3A_785 = arith.constant 3 : i32
    %dma_start3A_786 = arith.constant 3 : i32
    %dma_start3A_787 = tpu.memref_slice %arg13[%select_n3A_7] : memref<2x!tpu.dma_semaphore, #tpu.memory_space<semaphore_mem>> -> memref<1x!tpu.dma_semaphore, #tpu.memory_space<semaphore_mem>>
    %dma_start3A_788 = tpu.memref_squeeze %dma_start3A_787 : memref<1x!tpu.dma_semaphore, #tpu.memory_space<semaphore_mem>> -> memref<!tpu.dma_semaphore, #tpu.memory_space<semaphore_mem>>
    %dma_start3A_789 = arith.constant 0 : i32
    %dma_start3A_790 = tpu.memref_slice %arg8[%mul3A_784, %dma_start3A_786, %dma_start3A_789] : memref<8192x4x1024xf32, #tpu.memory_space<any>> -> memref<256x1x1024xf32, #tpu.memory_space<any>>
    %dma_start3A_791 = tpu.memref_squeeze %dma_start3A_790 : memref<256x1x1024xf32, #tpu.memory_space<any>> -> memref<256x1024xf32, #tpu.memory_space<any>>
    %dma_start3A_792 = arith.constant 0 : i32
    %dma_start3A_793 = arith.constant 0 : i32
    %dma_start3A_794 = tpu.memref_slice %arg11[%select_n3A_7, %dma_start3A_785, %dma_start3A_792, %dma_start3A_793] : memref<2x4x256x1024xf32, #tpu.memory_space<vmem>> -> memref<1x1x256x1024xf32, #tpu.memory_space<vmem>>
    %dma_start3A_795 = tpu.memref_squeeze %dma_start3A_794 : memref<1x1x256x1024xf32, #tpu.memory_space<vmem>> -> memref<256x1024xf32, #tpu.memory_space<vmem>>
    tpu.enqueue_dma source(%dma_start3A_795 : memref<256x1024xf32, #tpu.memory_space<vmem>>) target(%dma_start3A_791 : memref<256x1024xf32, #tpu.memory_space<any>>) target_semaphore(%dma_start3A_788 : memref<!tpu.dma_semaphore, #tpu.memory_space<semaphore_mem>>)
    %eq3A_796 = arith.constant 31 : i32
    %eq3A_797 = arith.cmpi eq, %arg0, %eq3A_796 : i32
    %convert_element_type3A_798 = arith.extui %eq3A_797 : i1 to i32
    %cond3A_799 = arith.constant 0 : i32
    %cond3A_800 = arith.cmpi ne, %convert_element_type3A_798, %cond3A_799 : i32
    scf.if %cond3A_800 {
      %sub3A = arith.constant 1 : i32
      %sub3A_801 = arith.subi %arg0, %sub3A : i32
      %sub3A_802 = arith.constant 1 : i32
      %sub3A_803 = arith.subi %sub3A_802, %select_n3A_7 : i32
      %mul3A_804 = arith.constant 256 : i32
      %mul3A_805 = arith.muli %sub3A_801, %mul3A_804 : i32
      %dma_wait3A_806 = arith.constant 0 : i32
      %dma_wait3A_807 = arith.constant 0 : i32
      %dma_wait3A_808 = tpu.memref_slice %arg13[%sub3A_803] : memref<2x!tpu.dma_semaphore, #tpu.memory_space<semaphore_mem>> -> memref<1x!tpu.dma_semaphore, #tpu.memory_space<semaphore_mem>>
      %dma_wait3A_809 = tpu.memref_squeeze %dma_wait3A_808 : memref<1x!tpu.dma_semaphore, #tpu.memory_space<semaphore_mem>> -> memref<!tpu.dma_semaphore, #tpu.memory_space<semaphore_mem>>
      %dma_wait3A_810 = arith.constant 0 : i32
      %dma_wait3A_811 = tpu.memref_slice %arg8[%mul3A_805, %dma_wait3A_807, %dma_wait3A_810] : memref<8192x4x1024xf32, #tpu.memory_space<any>> -> memref<256x1x1024xf32, #tpu.memory_space<any>>
      %dma_wait3A_812 = tpu.memref_squeeze %dma_wait3A_811 : memref<256x1x1024xf32, #tpu.memory_space<any>> -> memref<256x1024xf32, #tpu.memory_space<any>>
      %dma_wait3A_813 = arith.constant 0 : i32
      %dma_wait3A_814 = arith.constant 0 : i32
      %dma_wait3A_815 = tpu.memref_slice %arg11[%sub3A_803, %dma_wait3A_806, %dma_wait3A_813, %dma_wait3A_814] : memref<2x4x256x1024xf32, #tpu.memory_space<vmem>> -> memref<1x1x256x1024xf32, #tpu.memory_space<vmem>>
      %dma_wait3A_816 = tpu.memref_squeeze %dma_wait3A_815 : memref<1x1x256x1024xf32, #tpu.memory_space<vmem>> -> memref<256x1024xf32, #tpu.memory_space<vmem>>
      tpu.wait_dma2 semaphore(%dma_wait3A_809 : memref<!tpu.dma_semaphore, #tpu.memory_space<semaphore_mem>>) src(%dma_wait3A_816 : memref<256x1024xf32, #tpu.memory_space<vmem>>) dst(%dma_wait3A_812 : memref<256x1024xf32, #tpu.memory_space<any>>)
      %sub3A_817 = arith.constant 1 : i32
      %sub3A_818 = arith.subi %arg0, %sub3A_817 : i32
      %sub3A_819 = arith.constant 1 : i32
      %sub3A_820 = arith.subi %sub3A_819, %select_n3A_7 : i32
      %mul3A_821 = arith.constant 256 : i32
      %mul3A_822 = arith.muli %sub3A_818, %mul3A_821 : i32
      %dma_wait3A_823 = arith.constant 1 : i32
      %dma_wait3A_824 = arith.constant 1 : i32
      %dma_wait3A_825 = tpu.memref_slice %arg13[%sub3A_820] : memref<2x!tpu.dma_semaphore, #tpu.memory_space<semaphore_mem>> -> memref<1x!tpu.dma_semaphore, #tpu.memory_space<semaphore_mem>>
      %dma_wait3A_826 = tpu.memref_squeeze %dma_wait3A_825 : memref<1x!tpu.dma_semaphore, #tpu.memory_space<semaphore_mem>> -> memref<!tpu.dma_semaphore, #tpu.memory_space<semaphore_mem>>
      %dma_wait3A_827 = arith.constant 0 : i32
      %dma_wait3A_828 = tpu.memref_slice %arg8[%mul3A_822, %dma_wait3A_824, %dma_wait3A_827] : memref<8192x4x1024xf32, #tpu.memory_space<any>> -> memref<256x1x1024xf32, #tpu.memory_space<any>>
      %dma_wait3A_829 = tpu.memref_squeeze %dma_wait3A_828 : memref<256x1x1024xf32, #tpu.memory_space<any>> -> memref<256x1024xf32, #tpu.memory_space<any>>
      %dma_wait3A_830 = arith.constant 0 : i32
      %dma_wait3A_831 = arith.constant 0 : i32
      %dma_wait3A_832 = tpu.memref_slice %arg11[%sub3A_820, %dma_wait3A_823, %dma_wait3A_830, %dma_wait3A_831] : memref<2x4x256x1024xf32, #tpu.memory_space<vmem>> -> memref<1x1x256x1024xf32, #tpu.memory_space<vmem>>
      %dma_wait3A_833 = tpu.memref_squeeze %dma_wait3A_832 : memref<1x1x256x1024xf32, #tpu.memory_space<vmem>> -> memref<256x1024xf32, #tpu.memory_space<vmem>>
      tpu.wait_dma2 semaphore(%dma_wait3A_826 : memref<!tpu.dma_semaphore, #tpu.memory_space<semaphore_mem>>) src(%dma_wait3A_833 : memref<256x1024xf32, #tpu.memory_space<vmem>>) dst(%dma_wait3A_829 : memref<256x1024xf32, #tpu.memory_space<any>>)
      %sub3A_834 = arith.constant 1 : i32
      %sub3A_835 = arith.subi %arg0, %sub3A_834 : i32
      %sub3A_836 = arith.constant 1 : i32
      %sub3A_837 = arith.subi %sub3A_836, %select_n3A_7 : i32
      %mul3A_838 = arith.constant 256 : i32
      %mul3A_839 = arith.muli %sub3A_835, %mul3A_838 : i32
      %dma_wait3A_840 = arith.constant 2 : i32
      %dma_wait3A_841 = arith.constant 2 : i32
      %dma_wait3A_842 = tpu.memref_slice %arg13[%sub3A_837] : memref<2x!tpu.dma_semaphore, #tpu.memory_space<semaphore_mem>> -> memref<1x!tpu.dma_semaphore, #tpu.memory_space<semaphore_mem>>
      %dma_wait3A_843 = tpu.memref_squeeze %dma_wait3A_842 : memref<1x!tpu.dma_semaphore, #tpu.memory_space<semaphore_mem>> -> memref<!tpu.dma_semaphore, #tpu.memory_space<semaphore_mem>>
      %dma_wait3A_844 = arith.constant 0 : i32
      %dma_wait3A_845 = tpu.memref_slice %arg8[%mul3A_839, %dma_wait3A_841, %dma_wait3A_844] : memref<8192x4x1024xf32, #tpu.memory_space<any>> -> memref<256x1x1024xf32, #tpu.memory_space<any>>
      %dma_wait3A_846 = tpu.memref_squeeze %dma_wait3A_845 : memref<256x1x1024xf32, #tpu.memory_space<any>> -> memref<256x1024xf32, #tpu.memory_space<any>>
      %dma_wait3A_847 = arith.constant 0 : i32
      %dma_wait3A_848 = arith.constant 0 : i32
      %dma_wait3A_849 = tpu.memref_slice %arg11[%sub3A_837, %dma_wait3A_840, %dma_wait3A_847, %dma_wait3A_848] : memref<2x4x256x1024xf32, #tpu.memory_space<vmem>> -> memref<1x1x256x1024xf32, #tpu.memory_space<vmem>>
      %dma_wait3A_850 = tpu.memref_squeeze %dma_wait3A_849 : memref<1x1x256x1024xf32, #tpu.memory_space<vmem>> -> memref<256x1024xf32, #tpu.memory_space<vmem>>
      tpu.wait_dma2 semaphore(%dma_wait3A_843 : memref<!tpu.dma_semaphore, #tpu.memory_space<semaphore_mem>>) src(%dma_wait3A_850 : memref<256x1024xf32, #tpu.memory_space<vmem>>) dst(%dma_wait3A_846 : memref<256x1024xf32, #tpu.memory_space<any>>)
      %sub3A_851 = arith.constant 1 : i32
      %sub3A_852 = arith.subi %arg0, %sub3A_851 : i32
      %sub3A_853 = arith.constant 1 : i32
      %sub3A_854 = arith.subi %sub3A_853, %select_n3A_7 : i32
      %mul3A_855 = arith.constant 256 : i32
      %mul3A_856 = arith.muli %sub3A_852, %mul3A_855 : i32
      %dma_wait3A_857 = arith.constant 3 : i32
      %dma_wait3A_858 = arith.constant 3 : i32
      %dma_wait3A_859 = tpu.memref_slice %arg13[%sub3A_854] : memref<2x!tpu.dma_semaphore, #tpu.memory_space<semaphore_mem>> -> memref<1x!tpu.dma_semaphore, #tpu.memory_space<semaphore_mem>>
      %dma_wait3A_860 = tpu.memref_squeeze %dma_wait3A_859 : memref<1x!tpu.dma_semaphore, #tpu.memory_space<semaphore_mem>> -> memref<!tpu.dma_semaphore, #tpu.memory_space<semaphore_mem>>
      %dma_wait3A_861 = arith.constant 0 : i32
      %dma_wait3A_862 = tpu.memref_slice %arg8[%mul3A_856, %dma_wait3A_858, %dma_wait3A_861] : memref<8192x4x1024xf32, #tpu.memory_space<any>> -> memref<256x1x1024xf32, #tpu.memory_space<any>>
      %dma_wait3A_863 = tpu.memref_squeeze %dma_wait3A_862 : memref<256x1x1024xf32, #tpu.memory_space<any>> -> memref<256x1024xf32, #tpu.memory_space<any>>
      %dma_wait3A_864 = arith.constant 0 : i32
      %dma_wait3A_865 = arith.constant 0 : i32
      %dma_wait3A_866 = tpu.memref_slice %arg11[%sub3A_854, %dma_wait3A_857, %dma_wait3A_864, %dma_wait3A_865] : memref<2x4x256x1024xf32, #tpu.memory_space<vmem>> -> memref<1x1x256x1024xf32, #tpu.memory_space<vmem>>
      %dma_wait3A_867 = tpu.memref_squeeze %dma_wait3A_866 : memref<1x1x256x1024xf32, #tpu.memory_space<vmem>> -> memref<256x1024xf32, #tpu.memory_space<vmem>>
      tpu.wait_dma2 semaphore(%dma_wait3A_860 : memref<!tpu.dma_semaphore, #tpu.memory_space<semaphore_mem>>) src(%dma_wait3A_867 : memref<256x1024xf32, #tpu.memory_space<vmem>>) dst(%dma_wait3A_863 : memref<256x1024xf32, #tpu.memory_space<any>>)
      %mul3A_868 = arith.constant 256 : i32
      %mul3A_869 = arith.muli %arg0, %mul3A_868 : i32
      %dma_wait3A_870 = arith.constant 0 : i32
      %dma_wait3A_871 = arith.constant 0 : i32
      %dma_wait3A_872 = tpu.memref_slice %arg13[%select_n3A_7] : memref<2x!tpu.dma_semaphore, #tpu.memory_space<semaphore_mem>> -> memref<1x!tpu.dma_semaphore, #tpu.memory_space<semaphore_mem>>
      %dma_wait3A_873 = tpu.memref_squeeze %dma_wait3A_872 : memref<1x!tpu.dma_semaphore, #tpu.memory_space<semaphore_mem>> -> memref<!tpu.dma_semaphore, #tpu.memory_space<semaphore_mem>>
      %dma_wait3A_874 = arith.constant 0 : i32
      %dma_wait3A_875 = tpu.memref_slice %arg8[%mul3A_869, %dma_wait3A_871, %dma_wait3A_874] : memref<8192x4x1024xf32, #tpu.memory_space<any>> -> memref<256x1x1024xf32, #tpu.memory_space<any>>
      %dma_wait3A_876 = tpu.memref_squeeze %dma_wait3A_875 : memref<256x1x1024xf32, #tpu.memory_space<any>> -> memref<256x1024xf32, #tpu.memory_space<any>>
      %dma_wait3A_877 = arith.constant 0 : i32
      %dma_wait3A_878 = arith.constant 0 : i32
      %dma_wait3A_879 = tpu.memref_slice %arg11[%select_n3A_7, %dma_wait3A_870, %dma_wait3A_877, %dma_wait3A_878] : memref<2x4x256x1024xf32, #tpu.memory_space<vmem>> -> memref<1x1x256x1024xf32, #tpu.memory_space<vmem>>
      %dma_wait3A_880 = tpu.memref_squeeze %dma_wait3A_879 : memref<1x1x256x1024xf32, #tpu.memory_space<vmem>> -> memref<256x1024xf32, #tpu.memory_space<vmem>>
      tpu.wait_dma2 semaphore(%dma_wait3A_873 : memref<!tpu.dma_semaphore, #tpu.memory_space<semaphore_mem>>) src(%dma_wait3A_880 : memref<256x1024xf32, #tpu.memory_space<vmem>>) dst(%dma_wait3A_876 : memref<256x1024xf32, #tpu.memory_space<any>>)
      %mul3A_881 = arith.constant 256 : i32
      %mul3A_882 = arith.muli %arg0, %mul3A_881 : i32
      %dma_wait3A_883 = arith.constant 1 : i32
      %dma_wait3A_884 = arith.constant 1 : i32
      %dma_wait3A_885 = tpu.memref_slice %arg13[%select_n3A_7] : memref<2x!tpu.dma_semaphore, #tpu.memory_space<semaphore_mem>> -> memref<1x!tpu.dma_semaphore, #tpu.memory_space<semaphore_mem>>
      %dma_wait3A_886 = tpu.memref_squeeze %dma_wait3A_885 : memref<1x!tpu.dma_semaphore, #tpu.memory_space<semaphore_mem>> -> memref<!tpu.dma_semaphore, #tpu.memory_space<semaphore_mem>>
      %dma_wait3A_887 = arith.constant 0 : i32
      %dma_wait3A_888 = tpu.memref_slice %arg8[%mul3A_882, %dma_wait3A_884, %dma_wait3A_887] : memref<8192x4x1024xf32, #tpu.memory_space<any>> -> memref<256x1x1024xf32, #tpu.memory_space<any>>
      %dma_wait3A_889 = tpu.memref_squeeze %dma_wait3A_888 : memref<256x1x1024xf32, #tpu.memory_space<any>> -> memref<256x1024xf32, #tpu.memory_space<any>>
      %dma_wait3A_890 = arith.constant 0 : i32
      %dma_wait3A_891 = arith.constant 0 : i32
      %dma_wait3A_892 = tpu.memref_slice %arg11[%select_n3A_7, %dma_wait3A_883, %dma_wait3A_890, %dma_wait3A_891] : memref<2x4x256x1024xf32, #tpu.memory_space<vmem>> -> memref<1x1x256x1024xf32, #tpu.memory_space<vmem>>
      %dma_wait3A_893 = tpu.memref_squeeze %dma_wait3A_892 : memref<1x1x256x1024xf32, #tpu.memory_space<vmem>> -> memref<256x1024xf32, #tpu.memory_space<vmem>>
      tpu.wait_dma2 semaphore(%dma_wait3A_886 : memref<!tpu.dma_semaphore, #tpu.memory_space<semaphore_mem>>) src(%dma_wait3A_893 : memref<256x1024xf32, #tpu.memory_space<vmem>>) dst(%dma_wait3A_889 : memref<256x1024xf32, #tpu.memory_space<any>>)
      %mul3A_894 = arith.constant 256 : i32
      %mul3A_895 = arith.muli %arg0, %mul3A_894 : i32
      %dma_wait3A_896 = arith.constant 2 : i32
      %dma_wait3A_897 = arith.constant 2 : i32
      %dma_wait3A_898 = tpu.memref_slice %arg13[%select_n3A_7] : memref<2x!tpu.dma_semaphore, #tpu.memory_space<semaphore_mem>> -> memref<1x!tpu.dma_semaphore, #tpu.memory_space<semaphore_mem>>
      %dma_wait3A_899 = tpu.memref_squeeze %dma_wait3A_898 : memref<1x!tpu.dma_semaphore, #tpu.memory_space<semaphore_mem>> -> memref<!tpu.dma_semaphore, #tpu.memory_space<semaphore_mem>>
      %dma_wait3A_900 = arith.constant 0 : i32
      %dma_wait3A_901 = tpu.memref_slice %arg8[%mul3A_895, %dma_wait3A_897, %dma_wait3A_900] : memref<8192x4x1024xf32, #tpu.memory_space<any>> -> memref<256x1x1024xf32, #tpu.memory_space<any>>
      %dma_wait3A_902 = tpu.memref_squeeze %dma_wait3A_901 : memref<256x1x1024xf32, #tpu.memory_space<any>> -> memref<256x1024xf32, #tpu.memory_space<any>>
      %dma_wait3A_903 = arith.constant 0 : i32
      %dma_wait3A_904 = arith.constant 0 : i32
      %dma_wait3A_905 = tpu.memref_slice %arg11[%select_n3A_7, %dma_wait3A_896, %dma_wait3A_903, %dma_wait3A_904] : memref<2x4x256x1024xf32, #tpu.memory_space<vmem>> -> memref<1x1x256x1024xf32, #tpu.memory_space<vmem>>
      %dma_wait3A_906 = tpu.memref_squeeze %dma_wait3A_905 : memref<1x1x256x1024xf32, #tpu.memory_space<vmem>> -> memref<256x1024xf32, #tpu.memory_space<vmem>>
      tpu.wait_dma2 semaphore(%dma_wait3A_899 : memref<!tpu.dma_semaphore, #tpu.memory_space<semaphore_mem>>) src(%dma_wait3A_906 : memref<256x1024xf32, #tpu.memory_space<vmem>>) dst(%dma_wait3A_902 : memref<256x1024xf32, #tpu.memory_space<any>>)
      %mul3A_907 = arith.constant 256 : i32
      %mul3A_908 = arith.muli %arg0, %mul3A_907 : i32
      %dma_wait3A_909 = arith.constant 3 : i32
      %dma_wait3A_910 = arith.constant 3 : i32
      %dma_wait3A_911 = tpu.memref_slice %arg13[%select_n3A_7] : memref<2x!tpu.dma_semaphore, #tpu.memory_space<semaphore_mem>> -> memref<1x!tpu.dma_semaphore, #tpu.memory_space<semaphore_mem>>
      %dma_wait3A_912 = tpu.memref_squeeze %dma_wait3A_911 : memref<1x!tpu.dma_semaphore, #tpu.memory_space<semaphore_mem>> -> memref<!tpu.dma_semaphore, #tpu.memory_space<semaphore_mem>>
      %dma_wait3A_913 = arith.constant 0 : i32
      %dma_wait3A_914 = tpu.memref_slice %arg8[%mul3A_908, %dma_wait3A_910, %dma_wait3A_913] : memref<8192x4x1024xf32, #tpu.memory_space<any>> -> memref<256x1x1024xf32, #tpu.memory_space<any>>
      %dma_wait3A_915 = tpu.memref_squeeze %dma_wait3A_914 : memref<256x1x1024xf32, #tpu.memory_space<any>> -> memref<256x1024xf32, #tpu.memory_space<any>>
      %dma_wait3A_916 = arith.constant 0 : i32
      %dma_wait3A_917 = arith.constant 0 : i32
      %dma_wait3A_918 = tpu.memref_slice %arg11[%select_n3A_7, %dma_wait3A_909, %dma_wait3A_916, %dma_wait3A_917] : memref<2x4x256x1024xf32, #tpu.memory_space<vmem>> -> memref<1x1x256x1024xf32, #tpu.memory_space<vmem>>
      %dma_wait3A_919 = tpu.memref_squeeze %dma_wait3A_918 : memref<1x1x256x1024xf32, #tpu.memory_space<vmem>> -> memref<256x1024xf32, #tpu.memory_space<vmem>>
      tpu.wait_dma2 semaphore(%dma_wait3A_912 : memref<!tpu.dma_semaphore, #tpu.memory_space<semaphore_mem>>) src(%dma_wait3A_919 : memref<256x1024xf32, #tpu.memory_space<vmem>>) dst(%dma_wait3A_915 : memref<256x1024xf32, #tpu.memory_space<any>>)
    } else {
    }
    return
  }
  func.func @transform_0(%arg0: i32) -> (i32, i32) {
    %c0_i32 = arith.constant 0 : i32
    %c0_i32_0 = arith.constant 0 : i32
    return %arg0, %c0_i32 : i32, i32
  }
  func.func @transform_2(%arg0: i32) -> (i32, i32) {
    %c0_i32 = arith.constant 0 : i32
    %c0_i32_0 = arith.constant 0 : i32
    %c0_i32_1 = arith.constant 0 : i32
    return %c0_i32, %c0_i32_0 : i32, i32
  }
  func.func @transform_3(%arg0: i32) -> (i32, i32) {
    %c0_i32 = arith.constant 0 : i32
    %c0_i32_0 = arith.constant 0 : i32
    %c0_i32_1 = arith.constant 0 : i32
    return %c0_i32, %c0_i32_0 : i32, i32
  }
  func.func @transform_4(%arg0: i32) -> (i32, i32) {
    %c0_i32 = arith.constant 0 : i32
    %c0_i32_0 = arith.constant 0 : i32
    %c0_i32_1 = arith.constant 0 : i32
    return %c0_i32, %c0_i32_0 : i32, i32
  }
  func.func @transform_5(%arg0: i32) -> (i32, i32) {
    %c0_i32 = arith.constant 0 : i32
    %c0_i32_0 = arith.constant 0 : i32
    %c0_i32_1 = arith.constant 0 : i32
    return %c0_i32, %c0_i32_0 : i32, i32
  }
  func.func @transform_6(%arg0: i32) -> (i32, i32) {
    %c0_i32 = arith.constant 0 : i32
    %c0_i32_0 = arith.constant 0 : i32
    %c0_i32_1 = arith.constant 0 : i32
    return %c0_i32, %c0_i32_0 : i32, i32
  }
}

</mosaic_0001>

<sc_bundles>
// kernel: kernel.4.cloned.1.call-start
scs
__scs_entry_jumppad:
0x0: {  	(pc) =	sbr.rel $0x88, $3  }
0x1: {  	(tag) =	ssettag $0x0;
	lr =	simm.s32 $0x1  }
0x2: {  	[smem:$0x3F98] =	sst lr;
	_ =	strace $0xD0000000  }
0x3: {  	_ = 	snop  }
0x4: {  	_ = 	snop  }
0x5: {  	_ = 	snop  }
0x6: {  	_ = 	snop  }
0x7: {  	_ = 	snop  }
__scs_overlays_trampoline_lowered:
0x8: {  	[smem:$0x3FA7] =	sst s0  }
0x9: {  	[smem:$0x3FA8] =	sst s1  }
0xa: {  	[smem:$0x3FA9] =	sst s2  }
0xb: {  	[smem:$0x3FAA] =	sst s3  }
0xc: {  	[smem:$0x3FAB] =	sst s4  }
0xd: {  	[smem:$0x3FAC] =	sst s5  }
0xe: {  	[smem:$0x3FAD] =	sst s6  }
0xf: {  	[smem:$0x3FAE] =	sst s7  }
0x10: {  	[smem:$0x3FAF] =	sst s8  }
0x11: {  	[smem:$0x3FB0] =	sst s9;
	s0 =	simm.s32 @!p0 $0x0  }
0x12: {  	s1 =	sld [smem:$0x3F96];
	s0 =	simm.s32 @p0 $0x1  }
0x13: {  	[smem:$0x3FB1] =	sst s0;
	s0 =	simm.s32 @!p1 $0x0  }
0x14: {  	s2 =	sld [smem:$0x3F95];
	s0 =	simm.s32 @p1 $0x1  }
0x15: {  	[smem:$0x3FB2] =	sst s0;
	s0 =	simm.s32 @!p2 $0x0  }
0x16: {  	s3 =	sld [smem:$0x3FDB];
	s0 =	simm.s32 @p2 $0x1  }
0x17: {  	s4 =	simm.s32 $0x1BF5;
	[smem:$0x3FB4] =	sst s0  }
0x18: {  	s0 =	sld [smem:$0x3F97];
	_ =	swait.ge [sflag:s4], $0x0  }
0x19: {  	s7 =	sld [smem:$0x3F98]  }
0x1a: {  	s8 =	sadd.s32 $0xFFFFE003, lr  }
0x1b: {  	s9 =	sadd.s32 $0xFFFFFEF7, lr;
	s5 =	simm.s32 $0xFFFFFFFF;
	p2 =	slt.u32 s8, $0xFFFFF086  }
0x1c: {  	p1 =	slt.u32 s9, $0xF7A;
	s5 =	simm.s32 @!p2 $0x0  }
0x1d: {  	s5 =	simm.s32 @p1 $0x1;
	p0 =	seq.s32 s7, s2  }
0x1e: {  	s7 =	smul.u32 @!p0 $0xF7A, s2;
	p2 =	seq.s32 @!p0 s5, $0x0  }
0x1f: {  	s9 =	smul.u32 $0xF7A, s1;
	s8 =	simm.s32 @!p0 $0x1BF5;
	p2 =	por !p2, p0  }
0x20: {  	[sflag:s8] =	ssyncset.s32 @!p0 $0xFFFFF086;
	s6 =	sadd.s32 @!p0 s3, s7;
	s7 =	simm.s32 @!p0 $0x108  }
0x21: {  	s3 =	sadd.s32 s3, s9;
	s6 =	sadd.s32 @!p0 $0x88, s6;
	s7 =	simm.s32 @p2 $0x1082  }
0x22: {  	[simem:s7], [sflag:s8] =	dma.local @!p0 [hbm:s6], $0xF7A  }
0x23: {  	s9 =	sor.u32 $0xD0000000, s2;
	s6 =	simm.s32 $0x108;
	_ =	swait.ge @!p0 [sflag:s8], $0x0  }
0x24: {  	s3 =	sadd.s32 $0x88, s3;
	s6 =	simm.s32 @!p1 $0x1082;
	[sflag:s4] =	ssyncset.s32 $0xFFFFF086  }
0x25: {  	[simem:s6], [sflag:s4] =	dma.local [hbm:s3], $0xF7A  }
0x26: {  	[smem:$0x3F98] =	sst s1;
	(tag) =	ssettag s2;
	_ =	strace s9  }
0x27: {  	s1 =	sld [smem:$0x3FA8]  }
0x28: {  	s2 =	sld [smem:$0x3FA9]  }
0x29: {  	s4 =	sld [smem:$0x3FAB]  }
0x2a: {  	p0 =	seq.s32 s5, $0x0;
	s5 =	sld [smem:$0x3FAC]  }
0x2b: {  	s6 =	sld [smem:$0x3FAD]  }
0x2c: {  	s7 =	sld [smem:$0x3FAE]  }
0x2d: {  	s3 =	simm.s32 $0x108;
	s8 =	sld [smem:$0x3FAF]  }
0x2e: {  	s3 =	simm.s32 @!p0 $0x1082;
	s9 =	sld [smem:$0x3FB0]  }
0x2f: {  	lr =	sadd.s32 s0, s3;
	s0 =	sld [smem:$0x3FA7]  }
0x30: {  	s3 =	sld [smem:$0x3FAA]  }
0x31: {  	[smem:$0x3FB3] =	sst s10  }
0x32: {  	s10 =	sld [smem:$0x3FB1];
	_ =	sdelay $0x3  }
0x33: {  	p0 =	seq.s32 s10, $0x1;
	s10 =	sld [smem:$0x3FB3];
	_ =	sdelay $0x3  }
0x34: {  	[smem:$0x3FB3] =	sst s10  }
0x35: {  	s10 =	sld [smem:$0x3FB2];
	_ =	sdelay $0x3  }
0x36: {  	p1 =	seq.s32 s10, $0x1;
	s10 =	sld [smem:$0x3FB3];
	_ =	sdelay $0x3  }
0x37: {  	[smem:$0x3FB3] =	sst s10  }
0x38: {  	s10 =	sld [smem:$0x3FB4]  }
0x39: {  	_ = 	snop;
	(pc) =	sbr.ind lr, $3  }
0x3a: {  	_ = 	snop  }
0x3b: {  	_ = 	snop  }
0x3c: {  	p2 =	seq.s32 s10, $0x1;
	s10 =	sld [smem:$0x3FB3]  }
0x3d: {  	_ =	shalt  }
0x3e: {  	_ =	shalt  }
0x3f: {  	_ =	shalt  }
0x40: {  	_ =	shalt  }
0x41: {  	_ =	shalt  }
0x42: {  	_ =	shalt  }
0x43: {  	_ =	shalt  }
0x44: {  	_ =	shalt  }
0x45: {  	_ =	shalt  }
0x46: {  	_ =	shalt  }
0x47: {  	_ =	shalt  }
0x48: {  	_ =	shalt  }
0x49: {  	_ =	shalt  }
0x4a: {  	_ =	shalt  }
0x4b: {  	_ =	shalt  }
0x4c: {  	_ =	shalt  }
0x4d: {  	_ =	shalt  }
0x4e: {  	_ =	shalt  }
0x4f: {  	_ =	shalt  }
0x50: {  	_ =	shalt  }
0x51: {  	_ =	shalt  }
0x52: {  	_ =	shalt  }
0x53: {  	_ =	shalt  }
0x54: {  	_ =	shalt  }
0x55: {  	_ =	shalt  }
0x56: {  	_ =	shalt  }
0x57: {  	_ =	shalt  }
0x58: {  	_ =	shalt  }
0x59: {  	_ =	shalt  }
0x5a: {  	_ =	shalt  }
0x5b: {  	_ =	shalt  }
0x5c: {  	_ =	shalt  }
0x5d: {  	_ =	shalt  }
0x5e: {  	_ =	shalt  }
0x5f: {  	_ =	shalt  }
0x60: {  	_ =	shalt  }
0x61: {  	_ =	shalt  }
0x62: {  	_ =	shalt  }
0x63: {  	_ =	shalt  }
0x64: {  	_ =	shalt  }
0x65: {  	_ =	shalt  }
0x66: {  	_ =	shalt  }
0x67: {  	_ =	shalt  }
0x68: {  	_ =	shalt  }
0x69: {  	_ =	shalt  }
0x6a: {  	_ =	shalt  }
0x6b: {  	_ =	shalt  }
0x6c: {  	_ =	shalt  }
0x6d: {  	_ =	shalt  }
0x6e: {  	_ =	shalt  }
0x6f: {  	_ =	shalt  }
0x70: {  	_ =	shalt  }
0x71: {  	_ =	shalt  }
0x72: {  	_ =	shalt  }
0x73: {  	_ =	shalt  }
0x74: {  	_ =	shalt  }
0x75: {  	_ =	shalt  }
0x76: {  	_ =	shalt  }
0x77: {  	_ =	shalt  }
0x78: {  	_ =	shalt  }
0x79: {  	_ =	shalt  }
0x7a: {  	_ =	shalt  }
0x7b: {  	_ =	shalt  }
0x7c: {  	_ =	shalt  }
0x7d: {  	_ =	shalt  }
0x7e: {  	_ =	shalt  }
0x7f: {  	_ =	shalt  }
0x80: {  	_ =	shalt  }
0x81: {  	_ =	shalt  }
0x82: {  	_ =	shalt  }
0x83: {  	_ =	shalt  }
0x84: {  	_ =	shalt  }
0x85: {  	_ =	shalt  }
0x86: {  	_ =	shalt  }
0x87: {  	_ =	shalt  }
.Lfunc_end0:
.L_simem_size_0:
called_computation_lowered:
.L_overlay_start_0:
0x88: {  	s2 =	sld [smem:$0x3FD9]  }
0x89: {  	s3 =	sld [smem:$0x3FFE];
	_ =	sdelay $0x1  }
0x8a: {  	s1 =	srdreg.scid  }
0x8b: {  	s0 =	sand.u32 $0x1, s1  }
0x8c: {  	s17 =	sshll.u32 s0, $0xA;
	s2 =	sadd.s32 s3, s2  }
0x8d: {  	s2 =	sadd.s32 s2, s17  }
0x8e: {  	[smem:$0x3FBF] =	sst s2  }
0x8f: {  	_ = 	snop  }
0x90: {  	s2 =	sld [smem:$0x3FC7]  }
0x91: {  	s18 =	sld [smem:$0x3FD0];
	(tm) =	ssettm $0x1  }
0x92: {  	s4 =	sld [smem:$0x3FFB];
	_ =	sdelay $0x3  }
0x93: {  	_ =	strace s4  }
0x94: {  	s4 =	sld [smem:$0x3FFC];
	_ =	sdelay $0x3  }
0x95: {  	_ =	strace s4  }
0x96: {  	s4 =	sld [smem:$0x3FFD];
	_ =	sdelay $0x3  }
0x97: {  	_ =	strace s4  }
0x98: {  	_ =	strace $0x8FFFFFFF  }
0x99: {  	s19 =	sld [smem:$0x3FDB];
	_ =	sdelay $0x1  }
0x9a: {  	s5 =	simm.s32 $_scs_section_size  }
0x9b: {  	s6 =	simm.s32 $_size__tile_overlayer_lowered;
	s7 =	simm.s32 $_tile_overlayer_lowered  }
0x9c: {  	s22 =	simm.s32 $0x1BFF;
	s21 =	sshll.u32 s7, $0x1;
	s4 =	sadd.s32 s5, s19  }
0x9d: {  	s8 =	simm.s32 $0x0;
	s20 =	sshll.u32 s6, $0x1;
	s6 =	sadd.s32 s21, s4  }
0x9e: {  	[timem:s8], [sflag:s22] =	dma.local [hbm:s6], s20  }
0x9f: {  	_ =	swait.ge [sflag:s22], s20  }
0xa0: {  	s5 =	ssub.s32 $0x0, s20;
	[sflag:s22] =	ssyncset.done $0x0  }
0xa1: {  	[sflag:s22] =	ssyncadd.s32 s5;
	_ =	sdelay $0x1  }
0xa2: {  	s23 =	simm.s32 $0x1B8B  }
0xa3: {  	_ =	swait.ge [sflag:s23], $0x1  }
0xa4: {  	[sflag:s23] =	ssyncset.done $0x0  }
0xa5: {  	s25 =	simm.s32 $0x1B8E;
	s24 =	sld [smem:$0x3FFE];
	[sflag:s23] =	ssyncadd.s32 $0xFFFFFFFF  }
0xa6: {  	s26 =	simm.s32 $execute0_lowered;
	[smem:$0x3FD2] =	sst s25  }
0xa7: {  	s6 =	sshll.u32 s26, $0x1;
	_ =	strace $0x80000046;
	[dreg:$0x1] =	wrdreg $0xFFFFFFFF  }
0xa8: {  	s28 =	simm.s32 $_size_execute0_lowered;
	s4 =	sadd.s32 s4, s6;
	[dreg:$0x0] =	wrdreg $0x0  }
0xa9: {  	s6 =	sshll.u32 s28, $0x1;
	[dreg:$0x2] =	wrdreg s4  }
0xaa: {  	[dreg:$0x3] =	wrdreg s6  }
0xab: {  	[dreg:$0x4] =	wrdreg $0xC0  }
0xac: {  	_ =	task [dreg:s8], $0x5FFFF  }
0xad: {  	[dreg:$0x1] =	wrdreg $0xFFFFFFFF  }
0xae: {  	[dreg:$0x0] =	wrdreg $0x60  }
0xaf: {  	[dreg:$0x2] =	wrdreg s2  }
0xb0: {  	[dreg:$0x3] =	wrdreg s18  }
0xb1: {  	[dreg:$0x4] =	wrdreg s24  }
0xb2: {  	[dreg:$0x5] =	wrdreg $0x9  }
0xb3: {  	_ =	task.clear_ibuf [dreg:s8], $0x6FFFF;
	_ =	strace $0x90000046  }
0xb4: {  	s29 =	simm.s32 $0x9;
	_ =	strace $0x80000048  }
0xb5: {  	_ =	swait.ge [sflag:s29], $0x1  }
0xb6: {  	[sflag:s29] =	ssyncadd.s32 $0xFFFFFFFF  }
0xb7: {  	_ =	strace $0x90000048  }
0xb8: {  	_ =	sfence  }
0xb9: {  	s30 =	sld [smem:$0x0];
	_ =	sdelay $0x2  }
0xba: {  	s31 =	sshll.u32 s1, $0xD;
	s1 =	sshrl.u32 s1, $0x2  }
0xbb: {  	s3 =	sand.u32 $0x4000, s31;
	s1 =	sadd.s32 s1, s30  }
0xbc: {  	s0 =	sor.u32 s3, s0;
	s1 =	sshll.u32 s1, $0x11  }
0xbd: {  	s0 =	sor.u32 s1, s0  }
0xbe: {  	s0 =	sadd.s32 $0x8F2B, s0  }
0xbf: {  	[sflag:s0] =	ssyncadd.remote.s32 $0x1  }
0xc0: {  	_ =	sfence.sel $0xFFFF  }
0xc1: {  	[dreg:$0x0] =	wrdreg $0xFFFFFFFF;
	(pc) =	sbr.abs _section_cstart, $3  }
0xc2: {  	[dreg:$0x1] =	wrdreg $0xFFFFFFFF  }
0xc3: {  	_ =	task.clear_ibuf [dreg:s8], $0x2FFFF;
	_ =	strace $0x9FFFFFFF  }
0xc4: {  	(tm) =	ssettm $0x7FFFFFFF  }
0xc5: {  	_ =	shalt  }
tec
execute0_lowered:
.L_overlay_start_1:
0x0: {  	(tag) =	ssettag $0x1  }
0x1: {  	s1 =	rddreg [dreg:$0x0]  }
0x2: {  	s5 =	rddreg [dreg:$0x1]  }
0x3: {  	s4 =	rddreg [dreg:$0x2]  }
0x4: {  	s0 =	rddreg [dreg:$0x3]  }
0x5: {  	s6 =	srdreg.scid;
	s2 =	stileid.u32  }
0x6: {  	s3 =	simm.s32 $0x0;
	s11 =	simm.s32 $0x400;
	s12 =	simm.s32 $0x2000  }
0x7: {  	s13 =	simm.s32 $0x4800;
	s14 =	simm.s32 $0x0;
	s6 =	sand.u32 $0x1, s6  }
0x8: {  	s7 =	sshll.u32 s2, $0x1;
	[smem:$0x7FF] =	sst s3;
	s4 =	sadd.s32 $0x1000, s4  }
0x9: {  	s29 =	sshll.u32 s2, $0x5;
	s8 =	ssub.s32 $0x2, s6;
	s7 =	sor.u32 s6, s7  }
0xa: {  	_ =	strace $0x80000047;
	s30 =	sshll.u32 s6, $0x4;
	s9 =	sshrl.u32 s8, $0x1  }
0xb: {  	s10 =	sshll.u32 s7, $0x8;
	s7 =	sshll.u32 s7, $0xF;
	s31 =	sor.u32 s30, s29  }
0xc: {  	s8 =	ssub.s32 s8, s9;
	s5 =	sadd.s32 s5, s10;
	s7 =	sadd.s32 s7, s4  }
0xd: {  	[dreg:$0x4] =	wrdreg s31;
	s9 =	simm.s32 $0x800;
	s10 =	simm.s32 $0x2  }
0xe: {  	s6 =	smax.u32 s8, $0x1;
	s7 =	sadd.s32 $0x4380, s7;
	s8 =	simm.s32 $0x3  }
.LBB2_1:
0xf: {  	[tilespmem:s3], [sflag:$0x3] =	stream.linear.gather [hbm4b:s5+s3], $0x800, $0x38;
	[tilespmem:$0x8800] =	vst v63  }
0x10: {  	_ =	swait.ge [sflag:s8], $0x800  }
0x11: {  	s15 =	sand.u32 $0x1, s3;
	[sflag:s8] =	ssyncset.done $0x0  }
0x12: {  	s16 =	simm.s32 $0x80;
	p0 =	seq.s32 s15, $0x1;
	[sflag:s8] =	ssyncadd.s32 $0xFFFFF800  }
0x13: {  	[tilespmem:s9], [sflag:$0x1] =	stream.indirect.gather [hbm4b:s1+s16], $0x80, s3, s16, $0xb8;
	[tilespmem:$0x8800] =	vst v63  }
0x14: {  	s29 =	rddreg [dreg:$0x4];
	s17 =	simm.s32 @p0 $0x80;
	s18 =	simm.s32 @p0 $0x800  }
0x15: {  	[tilespmem:s18], [sflag:$0x1] =	stream.indirect.gather @p0 [hbm4b:s1+s17], $0x80, s16, s17, $0xb8;
	[tilespmem:$0x8800] =	vst v63  }
0x16: {  	s30 =	sadd.s32 $0x0, s29;
	s18 =	sand.u32 $0x7, s3  }
0x17: {  	p1 =	seq.s32 s30, $0x0;
	p2 =	sne.s32 s18, $0x0  }
0x18: {  	s20 =	simm.s32 $0x1;
	p1 =	por !p1, !p2  }
0x19: {  	s15 =	simm.s32 $0x1;
	s21 =	simm.s32 @p0 $0x4800;
	p1 =	por !p1, !p1  }
0x1a: {  	s22 =	simm.s32 @p0 $0x2000;
	s17 =	sshrl.u32 s30, $0x3;
	s20 =	simm.s32 @!p1 $0x0  }
0x1b: {  	s23 =	simm.s32 @p0 $0x2;
	s19 =	sshll.u32 @p0 s18, $0xA;
	s17 =	ssub.s32 s17, s20  }
0x1c: {  	s18 =	sshll.u32 @!p0 s18, $0xA;
	_ =	swait.ge @p0 [sflag:s23], $0x4000;
	s24 =	sshll.u32 @p0 s17, $0x11  }
0x1d: {  	[sflag:s23] =	ssyncset.done @p0 $0x0;
	s17 =	sshll.u32 @!p0 s17, $0x11;
	s19 =	sor.u32 @p0 s19, s24  }
0x1e: {  	[sflag:s23] =	ssyncadd.s32 @p0 $0xFFFFC000;
	s17 =	sor.u32 @!p0 s18, s17;
	s18 =	sshrl.u32 @p0 s19, $0x3  }
0x1f: {  	s20 =	simm.s32 @p0 $0x400;
	s17 =	sshrl.u32 @!p0 s17, $0x3;
	s18 =	sadd.s32 @p0 s4, s18  }
0x20: {  	[hbm4b:s18+s20] =	stream.strided.scatter @p0 [tilespmem:s21], [sflag:$0x3], $0x4000, s22, s20, $0x38;
	[tilespmem:$0x8800] =	vst v63  }
0x21: {  	s19 =	simm.s32 @!p0 $0x4800;
	s18 =	simm.s32 @!p0 $0x80;
	s20 =	simm.s32 @!p0 $0x1  }
0x22: {  	[tilespmem:s19], [sflag:$0x2] =	stream.indirect.gather @!p0 [hbm4b:s1+s18], $0x80, s16, s18, $0xb8;
	[tilespmem:$0x8800] =	vst v63  }
0x23: {  	s16 =	sadd.s32 @!p0 s4, s17;
	s17 =	simm.s32 @!p0 $0x2000;
	_ =	swait.ge @!p0 [sflag:s20], $0x4000  }
0x24: {  	s19 =	simm.s32 @!p0 $0x800;
	s18 =	simm.s32 @!p0 $0x4;
	[sflag:s20] =	ssyncset.done @!p0 $0x0  }
0x25: {  	s18 =	simm.s32 @p0 $0x3;
	[sflag:s20] =	ssyncadd.s32 @!p0 $0xFFFFC000;
	s20 =	simm.s32 @!p0 $0x400  }
0x26: {  	[hbm4b:s16+s20] =	stream.strided.scatter @!p0 [tilespmem:s19], [sflag:$0x4], $0x4000, s17, s20, $0x38;
	[tilespmem:$0x8800] =	vst v63  }
0x27: {  	s31 =	sand.u32 $0x1, s15;
	s17 =	simm.s32 $0x2;
	_ =	swait.ge [sflag:s18], $0x4000  }
0x28: {  	p0 =	seq.s32 s31, $0x1;
	s16 =	simm.s32 $0x100;
	[sflag:s18] =	ssyncset.done $0x0  }
.LBB2_2:
0x29: {  	s19 =	rddreg [dreg:$0x4];
	s20 =	simm.s32 @p0 $0x80  }
0x2a: {  	[sflag:s18] =	ssyncadd.s32 $0xFFFFC000;
	s18 =	simm.s32 @p0 $0x800;
	s21 =	smov.u32 s17  }
0x2b: {  	[tilespmem:s18], [sflag:$0x1] =	stream.indirect.gather @p0 [hbm4b:s1+s20], $0x80, s16, s20, $0xb8;
	[tilespmem:$0x8800] =	vst v63  }
0x2c: {  	s17 =	sadd.s32 $0x1, s17;
	s30 =	sadd.s32 s15, s19;
	s15 =	sand.u32 $0x7, s15  }
0x2d: {  	s22 =	simm.s32 @p0 $0x4800;
	p2 =	seq.s32 s30, $0x0;
	p3 =	sne.s32 s15, $0x0  }
0x2e: {  	s19 =	sshll.u32 @p0 s15, $0xA;
	s20 =	sshll.u32 @!p0 s15, $0xA;
	p2 =	por !p2, !p3  }
0x2f: {  	s15 =	smov.u32 s21;
	s21 =	simm.s32 $0x1;
	p2 =	por !p2, !p2  }
0x30: {  	s23 =	simm.s32 @p0 $0x2000;
	s18 =	sshrl.u32 s30, $0x3;
	s21 =	simm.s32 @!p2 $0x0  }
0x31: {  	s24 =	simm.s32 @p0 $0x2;
	p1 =	sne.s32 s17, $0xF;
	s18 =	ssub.s32 s18, s21  }
0x32: {  	_ =	swait.ge @p0 [sflag:s24], $0x4000;
	s25 =	sshll.u32 @p0 s18, $0x11;
	s18 =	sshll.u32 @!p0 s18, $0x11  }
0x33: {  	[sflag:s24] =	ssyncset.done @p0 $0x0;
	s19 =	sor.u32 @p0 s19, s25;
	s18 =	sor.u32 @!p0 s20, s18  }
0x34: {  	[sflag:s24] =	ssyncadd.s32 @p0 $0xFFFFC000;
	s19 =	sshrl.u32 @p0 s19, $0x3;
	s18 =	sshrl.u32 @!p0 s18, $0x3  }
0x35: {  	s21 =	simm.s32 @p0 $0x400;
	s19 =	sadd.s32 @p0 s4, s19;
	s20 =	sadd.s32 @!p0 s4, s18  }
0x36: {  	[hbm4b:s19+s21] =	stream.strided.scatter @p0 [tilespmem:s22], [sflag:$0x3], $0x4000, s23, s21, $0x38;
	[tilespmem:$0x8800] =	vst v63  }
0x37: {  	s18 =	simm.s32 @!p0 $0x80;
	s19 =	simm.s32 @!p0 $0x4800;
	s21 =	simm.s32 @!p0 $0x1  }
0x38: {  	[tilespmem:s19], [sflag:$0x2] =	stream.indirect.gather @!p0 [hbm4b:s1+s18], $0x80, s16, s18, $0xb8;
	[tilespmem:$0x8800] =	vst v63  }
0x39: {  	s22 =	simm.s32 @!p0 $0x800;
	s19 =	simm.s32 @!p0 $0x2000;
	_ =	swait.ge @!p0 [sflag:s21], $0x4000  }
.Ltmp0:
0x3a: {  	s18 =	simm.s32 @!p0 $0x4;
	[sflag:s21] =	ssyncset.done @!p0 $0x0;
	(pc) =	sbr.rel @p1 .LBB2_2-.Ltmp0, $4  }
0x3b: {  	s18 =	simm.s32 @p0 $0x3;
	[sflag:s21] =	ssyncadd.s32 @!p0 $0xFFFFC000;
	s21 =	simm.s32 @!p0 $0x400  }
0x3c: {  	[hbm4b:s20+s21] =	stream.strided.scatter @!p0 [tilespmem:s22], [sflag:$0x4], $0x4000, s19, s21, $0x38;
	[tilespmem:$0x8800] =	vst v63  }
0x3d: {  	s31 =	sand.u32 $0x1, s15;
	_ =	swait.ge [sflag:s18], $0x4000  }
0x3e: {  	s16 =	sadd.s32 $0x80, s16;
	p0 =	seq.s32 s31, $0x1;
	[sflag:s18] =	ssyncset.done $0x0  }
0x3f: {  	s17 =	rddreg [dreg:$0x4]  }
0x40: {  	s19 =	simm.s32 @p0 $0x80;
	[sflag:s18] =	ssyncadd.s32 $0xFFFFC000;
	s18 =	simm.s32 @p0 $0x800  }
0x41: {  	[tilespmem:s18], [sflag:$0x1] =	stream.indirect.gather @p0 [hbm4b:s1+s19], $0x80, s16, s19, $0xb8;
	[tilespmem:$0x8800] =	vst v63  }
0x42: {  	s17 =	sadd.s32 s15, s17;
	s15 =	sand.u32 $0x7, s15  }
0x43: {  	p1 =	seq.s32 s17, $0x0;
	p2 =	sne.s32 s15, $0x0  }
0x44: {  	p1 =	por !p1, !p2  }
0x45: {  	s20 =	simm.s32 @p0 $0x4800;
	s19 =	simm.s32 $0x1;
	p1 =	por !p1, !p1  }
0x46: {  	s21 =	simm.s32 @p0 $0x2000;
	s17 =	sshrl.u32 s17, $0x3;
	s19 =	simm.s32 @!p1 $0x0  }
0x47: {  	s22 =	simm.s32 @p0 $0x2;
	s18 =	sshll.u32 @p0 s15, $0xA;
	s17 =	ssub.s32 s17, s19  }
0x48: {  	s15 =	sshll.u32 @!p0 s15, $0xA;
	_ =	swait.ge @p0 [sflag:s22], $0x4000;
	s23 =	sshll.u32 @p0 s17, $0x11  }
0x49: {  	[sflag:s22] =	ssyncset.done @p0 $0x0;
	s17 =	sshll.u32 @!p0 s17, $0x11;
	s18 =	sor.u32 @p0 s18, s23  }
0x4a: {  	[sflag:s22] =	ssyncadd.s32 @p0 $0xFFFFC000;
	s15 =	sor.u32 @!p0 s15, s17;
	s17 =	sshrl.u32 @p0 s18, $0x3  }
0x4b: {  	s19 =	simm.s32 @p0 $0x400;
	s15 =	sshrl.u32 @!p0 s15, $0x3;
	s17 =	sadd.s32 @p0 s4, s17  }
0x4c: {  	[hbm4b:s17+s19] =	stream.strided.scatter @p0 [tilespmem:s20], [sflag:$0x3], $0x4000, s21, s19, $0x38;
	[tilespmem:$0x8800] =	vst v63  }
0x4d: {  	s18 =	simm.s32 @!p0 $0x4800;
	s17 =	simm.s32 @!p0 $0x80;
	s19 =	simm.s32 @!p0 $0x1  }
0x4e: {  	[tilespmem:s18], [sflag:$0x2] =	stream.indirect.gather @!p0 [hbm4b:s1+s17], $0x80, s16, s17, $0xb8;
	[tilespmem:$0x8800] =	vst v63  }
0x4f: {  	s15 =	sadd.s32 @!p0 s4, s15;
	s16 =	simm.s32 @!p0 $0x2000;
	_ =	swait.ge @!p0 [sflag:s19], $0x4000  }
0x50: {  	s17 =	simm.s32 @!p0 $0x800;
	s18 =	simm.s32 @!p0 $0x4;
	[sflag:s19] =	ssyncset.done @!p0 $0x0  }
0x51: {  	s18 =	simm.s32 @p0 $0x3;
	[sflag:s19] =	ssyncadd.s32 @!p0 $0xFFFFC000;
	s19 =	simm.s32 @!p0 $0x400  }
0x52: {  	[hbm4b:s15+s19] =	stream.strided.scatter @!p0 [tilespmem:s17], [sflag:$0x4], $0x4000, s16, s19, $0x38;
	[tilespmem:$0x8800] =	vst v63  }
0x53: {  	_ =	swait.ge [sflag:s18], $0x4000  }
0x54: {  	[sflag:s18] =	ssyncset.done $0x0  }
0x55: {  	[sflag:s18] =	ssyncadd.s32 $0xFFFFC000  }
0x56: {  	s14 =	sadd.s32 $0x1, s14;
	_ =	swait.ge [sflag:s10], $0x4000  }
0x57: {  	p0 =	sne.s32 s14, s6;
	[sflag:s10] =	ssyncset.done $0x0  }
.Ltmp1:
0x58: {  	[sflag:s10] =	ssyncadd.s32 $0xFFFFC000;
	(pc) =	sbr.rel @p0 .LBB2_1-.Ltmp1, $4  }
0x59: {  	[hbm4b:s7+s11] =	stream.strided.scatter [tilespmem:s13], [sflag:$0x3], $0x4000, s12, s11, $0x38;
	[tilespmem:$0x8800] =	vst v63  }
0x5a: {  	_ =	swait.ge [sflag:s8], $0x4000  }
0x5b: {  	[sflag:s8] =	ssyncset.done $0x0  }
0x5c: {  	[sflag:s8] =	ssyncadd.s32 $0xFFFFC000  }
0x5d: {  	_ =	sfence.sel $0x180000  }
0x5e: {  	[bflag:$0x0] =	sbarrier.arrive $0xFFFF  }
0x5f: {  	p0 =	sne.s32 s2, $0x0;
	_ =	strace $0x90000047  }
0x60: {  	s0 =	sadd.s32 @!p0 $0x100000, s0;
	[bflag:$0x2] =	sbarrier.arrive $0xFFFF  }
0x61: {  	[sflag:s0] =	ssyncadd.tile.s32 @!p0 $0x1;
	_ =	shalt  }
.Lfunc_end2:
_tile_overlayer_lowered:
.L_overlay_start_2:
0x62: {  	(tag) =	ssettag $0x2  }
0x63: {  	s0 =	rddreg [dreg:$0x0];
	s2 =	stileid.u32  }
0x64: {  	s1 =	rddreg [dreg:$0x1];
	p0 =	sne.s32 s2, $0x0  }
0x65: {  	s3 =	rddreg [dreg:$0x2];
	[bflag:$0x3] =	sbarrier.arrive $0xFFFF;
	s2 =	simm.s32 @!p0 $0x1C03  }
0x66: {  	[timem:s3], [sflag:s2] =	dma.local @!p0 [hbm:s0], s1  }
0x67: {  	s0 =	simm.s32 @!p0 $0x3  }
0x68: {  	_ =	swait.ge @!p0 [sflag:s0], s1  }
0x69: {  	s1 =	ssub.s32 @!p0 $0x0, s1;
	[sflag:s0] =	ssyncset.done @!p0 $0x0  }
0x6a: {  	[sflag:s0] =	ssyncadd.s32 @!p0 s1  }
0x6b: {  	[bflag:$0x3] =	sbarrier.arrive $0xFFFF  }
0x6c: {  	_ =	shalt  }

</sc_bundles>
